<compile_context>
chip_gen: v7x
topology: tpu7x:2x2x1
jax: 0.10.2.dev20260603
libtpu: 0.0.44.dev20260713+nightly
codegen_flags: <defaults>
</compile_context>

<pallas_src>
import functools

import jax
import jax.numpy as jnp
from jax import lax
from jax.experimental import pallas as pl
from jax.experimental.pallas import tpu as pltpu
from jax.experimental.pallas import tpu_sc as plsc

BETA = 0.25
_B, _Q, _K, _N = 8, 64, 512, 2049
_C, _T = 256, 2048
_CHUNK = 256
_GRID = _T // _CHUNK

_NW = 32
_COLS = 128
_BH = 4
_LG = _COLS // 16
_UNROLL = 2


def _tc_body(qp_ref, tgt_ref, out_ref):
    i = pl.program_id(0)

    qp = qp_ref[...]
    m = jnp.max(qp, axis=1, keepdims=True)
    s = jnp.sum(jnp.exp(qp - m), axis=1)
    lse = jnp.log(s) + m[:, 0, :]

    tgt = tgt_ref[:, 0, :]
    cidx = jax.lax.broadcasted_iota(jnp.int32, (_B, _C, _CHUNK), 1)
    picked = jnp.sum(jnp.where(cidx == tgt[:, None, :], qp, 0.0), axis=1)

    contrib = jnp.sum(picked - lse)

    @pl.when(i == 0)
    def _():
        out_ref[0, 0] = 0.0

    out_ref[0, 0] += contrib


def _sc_body(ze_hbm, emb_hbm, out_hbm, ze_v, emb_v, acc_v):
    s = lax.axis_index("s")
    c = lax.axis_index("c")
    wid = s * 2 + c
    cbase = pl.multiple_of(s * _COLS, 128)
    bbase = c * _BH
    pltpu.sync_copy(ze_hbm.at[pl.ds(bbase, _BH), :, pl.ds(cbase, _COLS)], ze_v)
    pltpu.sync_copy(emb_hbm.at[:, pl.ds(cbase, _COLS)], emb_v)

    qinv = 1.0 / float(_Q)
    acc = jnp.zeros((16,), jnp.float32)
    for g in range(_LG):
        sl = pl.ds(g * 16, 16)

        xs, s2s = [], []
        for b in range(_BH):
            def qbody(q, carry):
                v = ze_v[b, q, sl]
                return carry[0] + v, carry[1] + v * v
            z = jnp.zeros((16,), jnp.float32)
            s1, s2 = lax.fori_loop(0, _Q, qbody, (z, z))
            xs.append(s1 * qinv)
            s2s.append(s2)

        def kbody(i, mns):
            out = list(mns)
            for j in range(_UNROLL):
                k = i * _UNROLL + j
                e = emb_v[k, sl]
                for b in range(_BH):
                    out[b] = jnp.minimum(out[b], jnp.abs(e - xs[b]))
            return tuple(out)

        big = jnp.full((16,), 3e38, jnp.float32)
        mns = lax.fori_loop(0, _K // _UNROLL, kbody, (big,) * _BH)

        for b in range(_BH):
            x = xs[b]
            acc = acc + (float(_Q) * (mns[b] * mns[b] - x * x) + s2s[b])

    acc_v[...] = acc
    pltpu.sync_copy(acc_v, out_hbm.at[wid])


@functools.partial(jax.jit, static_argnames=("interpret",))
def kernel(quant_pred, target_wav, ze, emb, interpret=False):
    tgt = target_wav.astype(jnp.int32)

    sc_fn = pl.kernel(
        _sc_body,
        out_type=jax.ShapeDtypeStruct((_NW, 16), jnp.float32),
        mesh=plsc.VectorSubcoreMesh(core_axis_name="c", subcore_axis_name="s"),
        scratch_types=[
            pltpu.VMEM((_BH, _Q, _COLS), jnp.float32),
            pltpu.VMEM((_K, _COLS), jnp.float32),
            pltpu.VMEM((16,), jnp.float32),
        ],
        interpret=interpret,
    )
    minl2_parts = sc_fn(ze, emb)

    tc_sum = pl.pallas_call(
        _tc_body,
        grid=(_GRID,),
        in_specs=[
            pl.BlockSpec((_B, _C, _CHUNK), lambda i: (0, 0, i)),
            pl.BlockSpec((_B, 1, _CHUNK), lambda i: (0, 0, i)),
        ],
        out_specs=pl.BlockSpec(
            (1, 1), lambda i: (0, 0), memory_space=pltpu.SMEM
        ),
        out_shape=jax.ShapeDtypeStruct((1, 1), jnp.float32),
        interpret=interpret,
    )(quant_pred, tgt)

    total = tc_sum[0, 0] + (1.0 + BETA) * jnp.sum(minl2_parts)
    return total / (_B * _T)

# --- scband reference (transcript-rebuilt; emitter-appended) ---
"""Pipeline reference for scband-vqloss-25357486916145 (READ-ONLY COPY).

The authoritative reference and input builder live on the scoring server;
editing this copy changes nothing except your own understanding.
"""

import jax, jax.numpy as jnp
import numpy as np

BETA = 0.25
B, Q, K, N = 8, 64, 512, 2049  # N = T + 1, T = 2048
C, T = 256, 2048


def _min_l2(ze, emb):
    # Faithful to ((ze.unsqueeze(2) - emb) ** 2).sum(dim=1).min(dim=1).
    # Since emb (K, N) does not depend on the Q axis, the sum over Q factors exactly:
    #   sum_q (ze[b,q,n] - emb[k,n])^2 = S2[b,n] - 2*emb[k,n]*S1[b,n] + Q*emb[k,n]^2
    # identical math, avoids the (B, Q, K, N) intermediate.
    S1 = ze.sum(axis=1)            # (B, N)
    S2 = (ze ** 2).sum(axis=1)     # (B, N)
    q = ze.shape[1]
    d = S2[:, None, :] - 2.0 * emb[None, :, :] * S1[:, None, :] + q * (emb ** 2)[None, :, :]  # (B, K, N)
    return d.min(axis=1)           # (B, N)


def setup_inputs(seed: int = 0) -> dict:
    key = jax.random.key(seed)
    k1, k2, k3, k4 = jax.random.split(key, 4)
    quant_pred = jax.random.normal(k1, (B, C, T), dtype=jnp.float32)
    target_wav = jax.random.randint(k2, (B, 1, T), 0, C, dtype=jnp.int64)
    ze = jax.random.normal(k3, (B, Q, N), dtype=jnp.float32)
    emb = jax.random.normal(k4, (K, N), dtype=jnp.float32)
    return {"quant_pred": quant_pred, "target_wav": target_wav, "ze": ze, "emb": emb}


def reference(quant_pred, target_wav, ze, emb):
    # L2Error: stop-grad on ze, gradient flows to emb
    l2_loss = _min_l2(jax.lax.stop_gradient(ze), emb)          # (B, N)
    # commitment term (l2norm_min): gradient flows to ze
    com_loss = _min_l2(ze, jax.lax.stop_gradient(emb)) * BETA  # (B, N)
    # LCCombine approximated as identity channel-expansion (see notes); [..., :-1] drops last step
    l2_loss_comb = l2_loss[:, None, :-1]    # (B, 1, T)
    com_loss_comb = com_loss[:, None, :-1]  # (B, 1, T)
    log_pred = jax.nn.log_softmax(quant_pred, axis=1)           # (B, C, T)
    log_pred_target = jnp.take_along_axis(log_pred, target_wav, axis=1)  # (B, 1, T)
    total_loss_terms = log_pred_target + l2_loss_comb + com_loss_comb
    total_loss = total_loss_terms.mean()
    return total_loss

if __name__ == "__main__":
    import jax
    _d = setup_inputs()
    print(jax.jit(kernel)(*tuple(_d.values())))

</pallas_src>

<mosaic_0001>
#map = affine_map<(d0, d1) -> (0, 0, 0)>
#map1 = affine_map<(d0, d1) -> (0, 0)>
module attributes {stable_mosaic.version = 14 : i64} {
  func.func @_sc_body(%arg0: i32, %arg1: i32, %arg2: memref<8x64x2049xf32, #tpu.memory_space<hbm>>, %arg3: memref<512x2049xf32, #tpu.memory_space<hbm>>, %arg4: memref<32x16xf32, #tpu.memory_space<hbm>>, %arg5: memref<4x64x128xf32, #tpu.memory_space<vmem>>, %arg6: memref<512x128xf32, #tpu.memory_space<vmem>>, %arg7: memref<16xf32, #tpu.memory_space<vmem>>) attributes {dimension_semantics = [#tpu.dimension_semantics<core_parallel>, #tpu.dimension_semantics<subcore_parallel>], iteration_bounds = array<i64: 2, 16>, scalar_prefetch = 0 : i64, scratch_operands = 3 : i64, tpu.core_type = #tpu.core_type<sc_vector_subcore>, window_params = [{transform_indices = #map}, {transform_indices = #map1}, {transform_indices = #map1}]} {
    %mul3A = arith.constant 2 : i32
    %mul3A_0 = arith.muli %arg1, %mul3A : i32
    %add3A = arith.addi %mul3A_0, %arg0 : i32
    %mul3A_1 = arith.constant 128 : i32
    %mul3A_2 = arith.muli %arg1, %mul3A_1 : i32
    %multiple_of3A = tpu.assume_multiple %mul3A_2, 128 : i32
    %mul3A_3 = arith.constant 4 : i32
    %mul3A_4 = arith.muli %arg0, %mul3A_3 : i32
    "tpu.region"() ({
      %run_scoped3A = tpu.sem_alloc : memref<!tpu.dma_semaphore, #tpu.memory_space<semaphore_mem>>
      %dma_start3A = arith.constant 0 : i32
      %dma_start3A_679 = tpu.memref_slice %arg2[%mul3A_4, %dma_start3A, %multiple_of3A] : memref<8x64x2049xf32, #tpu.memory_space<hbm>> -> memref<4x64x128xf32, #tpu.memory_space<hbm>>
      %dma_start3A_680 = arith.constant 0 : i32
      %dma_start3A_681 = tpu.memref_slice %arg2[%mul3A_4, %dma_start3A_680, %multiple_of3A] : memref<8x64x2049xf32, #tpu.memory_space<hbm>> -> memref<4x64x128xf32, #tpu.memory_space<hbm>>
      tpu.enqueue_dma source(%dma_start3A_681 : memref<4x64x128xf32, #tpu.memory_space<hbm>>) target(%arg5 : memref<4x64x128xf32, #tpu.memory_space<vmem>>) target_semaphore(%run_scoped3A : memref<!tpu.dma_semaphore, #tpu.memory_space<semaphore_mem>>)
      %dma_wait3A = arith.constant 0 : i32
      %dma_wait3A_682 = tpu.memref_slice %arg2[%mul3A_4, %dma_wait3A, %multiple_of3A] : memref<8x64x2049xf32, #tpu.memory_space<hbm>> -> memref<4x64x128xf32, #tpu.memory_space<hbm>>
      %dma_wait3A_683 = arith.constant 0 : i32
      %dma_wait3A_684 = tpu.memref_slice %arg2[%mul3A_4, %dma_wait3A_683, %multiple_of3A] : memref<8x64x2049xf32, #tpu.memory_space<hbm>> -> memref<4x64x128xf32, #tpu.memory_space<hbm>>
      tpu.wait_dma2 semaphore(%run_scoped3A : memref<!tpu.dma_semaphore, #tpu.memory_space<semaphore_mem>>) src(%dma_wait3A_684 : memref<4x64x128xf32, #tpu.memory_space<hbm>>) dst(%arg5 : memref<4x64x128xf32, #tpu.memory_space<vmem>>)
      tpu.yield
    }) : () -> ()
    "tpu.region"() ({
      %run_scoped3A = tpu.sem_alloc : memref<!tpu.dma_semaphore, #tpu.memory_space<semaphore_mem>>
      %dma_start3A = arith.constant 0 : i32
      %dma_start3A_679 = tpu.memref_slice %arg3[%dma_start3A, %multiple_of3A] : memref<512x2049xf32, #tpu.memory_space<hbm>> -> memref<512x128xf32, #tpu.memory_space<hbm>>
      %dma_start3A_680 = arith.constant 0 : i32
      %dma_start3A_681 = tpu.memref_slice %arg3[%dma_start3A_680, %multiple_of3A] : memref<512x2049xf32, #tpu.memory_space<hbm>> -> memref<512x128xf32, #tpu.memory_space<hbm>>
      tpu.enqueue_dma source(%dma_start3A_681 : memref<512x128xf32, #tpu.memory_space<hbm>>) target(%arg6 : memref<512x128xf32, #tpu.memory_space<vmem>>) target_semaphore(%run_scoped3A : memref<!tpu.dma_semaphore, #tpu.memory_space<semaphore_mem>>)
      %dma_wait3A = arith.constant 0 : i32
      %dma_wait3A_682 = tpu.memref_slice %arg3[%dma_wait3A, %multiple_of3A] : memref<512x2049xf32, #tpu.memory_space<hbm>> -> memref<512x128xf32, #tpu.memory_space<hbm>>
      %dma_wait3A_683 = arith.constant 0 : i32
      %dma_wait3A_684 = tpu.memref_slice %arg3[%dma_wait3A_683, %multiple_of3A] : memref<512x2049xf32, #tpu.memory_space<hbm>> -> memref<512x128xf32, #tpu.memory_space<hbm>>
      tpu.wait_dma2 semaphore(%run_scoped3A : memref<!tpu.dma_semaphore, #tpu.memory_space<semaphore_mem>>) src(%dma_wait3A_684 : memref<512x128xf32, #tpu.memory_space<hbm>>) dst(%arg6 : memref<512x128xf32, #tpu.memory_space<vmem>>)
      tpu.yield
    }) : () -> ()
    %broadcast_in_dim3A = arith.constant 0.000000e+00 : f32
    %broadcast_in_dim3A_5 = vector.broadcast %broadcast_in_dim3A : f32 to vector<16xf32>
    %broadcast_in_dim3A_6 = arith.constant 0.000000e+00 : f32
    %broadcast_in_dim3A_7 = vector.broadcast %broadcast_in_dim3A_6 : f32 to vector<16xf32>
    %scan3A = arith.constant 0 : i32
    %scan3A_8 = arith.constant 64 : i32
    %scan3A_9 = arith.addi %scan3A, %scan3A_8 : i32
    %scan3A_10 = arith.constant 1 : i32
    %scan3A_11:2 = scf.for %scan3A_679 = %scan3A to %scan3A_9 step %scan3A_10 iter_args(%scan3A_680 = %broadcast_in_dim3A_7, %scan3A_681 = %broadcast_in_dim3A_7) -> (vector<16xf32>, vector<16xf32>)  : i32 {
      %get3A = arith.constant 0 : i32
      %get3A_682 = arith.index_cast %get3A : i32 to index
      %get3A_683 = arith.index_cast %scan3A_679 : i32 to index
      %get3A_684 = arith.constant 0 : index
      %get3A_685 = tpu.vector_load %arg5[%get3A_682, %get3A_683, %get3A_684] {strides = array<i32>} : memref<4x64x128xf32, #tpu.memory_space<vmem>>, vector<1x1x16xf32>,
      %get3A_686 = vector.shape_cast %get3A_685 : vector<1x1x16xf32> to vector<16xf32>
      %add3A_687 = arith.addf %scan3A_680, %get3A_686 : vector<16xf32>
      %mul3A_688 = arith.mulf %get3A_686, %get3A_686 : vector<16xf32>
      %add3A_689 = arith.addf %scan3A_681, %mul3A_688 : vector<16xf32>
      scf.yield %add3A_687, %add3A_689 : vector<16xf32>, vector<16xf32>
    }
    %scan3A_12 = arith.constant 64 : i32
    %mul3A_13 = arith.constant 1.562500e-02 : f32
    %mul3A_14 = vector.broadcast %mul3A_13 : f32 to vector<16xf32>
    %mul3A_15 = arith.mulf %scan3A_11#0, %mul3A_14 : vector<16xf32>
    %broadcast_in_dim3A_16 = arith.constant 0.000000e+00 : f32
    %broadcast_in_dim3A_17 = vector.broadcast %broadcast_in_dim3A_16 : f32 to vector<16xf32>
    %scan3A_18 = arith.constant 0 : i32
    %scan3A_19 = arith.constant 64 : i32
    %scan3A_20 = arith.addi %scan3A_18, %scan3A_19 : i32
    %scan3A_21 = arith.constant 1 : i32
    %scan3A_22:2 = scf.for %scan3A_679 = %scan3A_18 to %scan3A_20 step %scan3A_21 iter_args(%scan3A_680 = %broadcast_in_dim3A_17, %scan3A_681 = %broadcast_in_dim3A_17) -> (vector<16xf32>, vector<16xf32>)  : i32 {
      %get3A = arith.constant 1 : i32
      %get3A_682 = arith.index_cast %get3A : i32 to index
      %get3A_683 = arith.index_cast %scan3A_679 : i32 to index
      %get3A_684 = arith.constant 0 : index
      %get3A_685 = tpu.vector_load %arg5[%get3A_682, %get3A_683, %get3A_684] {strides = array<i32>} : memref<4x64x128xf32, #tpu.memory_space<vmem>>, vector<1x1x16xf32>,
      %get3A_686 = vector.shape_cast %get3A_685 : vector<1x1x16xf32> to vector<16xf32>
      %add3A_687 = arith.addf %scan3A_680, %get3A_686 : vector<16xf32>
      %mul3A_688 = arith.mulf %get3A_686, %get3A_686 : vector<16xf32>
      %add3A_689 = arith.addf %scan3A_681, %mul3A_688 : vector<16xf32>
      scf.yield %add3A_687, %add3A_689 : vector<16xf32>, vector<16xf32>
    }
    %scan3A_23 = arith.constant 64 : i32
    %mul3A_24 = arith.constant 1.562500e-02 : f32
    %mul3A_25 = vector.broadcast %mul3A_24 : f32 to vector<16xf32>
    %mul3A_26 = arith.mulf %scan3A_22#0, %mul3A_25 : vector<16xf32>
    %broadcast_in_dim3A_27 = arith.constant 0.000000e+00 : f32
    %broadcast_in_dim3A_28 = vector.broadcast %broadcast_in_dim3A_27 : f32 to vector<16xf32>
    %scan3A_29 = arith.constant 0 : i32
    %scan3A_30 = arith.constant 64 : i32
    %scan3A_31 = arith.addi %scan3A_29, %scan3A_30 : i32
    %scan3A_32 = arith.constant 1 : i32
    %scan3A_33:2 = scf.for %scan3A_679 = %scan3A_29 to %scan3A_31 step %scan3A_32 iter_args(%scan3A_680 = %broadcast_in_dim3A_28, %scan3A_681 = %broadcast_in_dim3A_28) -> (vector<16xf32>, vector<16xf32>)  : i32 {
      %get3A = arith.constant 2 : i32
      %get3A_682 = arith.index_cast %get3A : i32 to index
      %get3A_683 = arith.index_cast %scan3A_679 : i32 to index
      %get3A_684 = arith.constant 0 : index
      %get3A_685 = tpu.vector_load %arg5[%get3A_682, %get3A_683, %get3A_684] {strides = array<i32>} : memref<4x64x128xf32, #tpu.memory_space<vmem>>, vector<1x1x16xf32>,
      %get3A_686 = vector.shape_cast %get3A_685 : vector<1x1x16xf32> to vector<16xf32>
      %add3A_687 = arith.addf %scan3A_680, %get3A_686 : vector<16xf32>
      %mul3A_688 = arith.mulf %get3A_686, %get3A_686 : vector<16xf32>
      %add3A_689 = arith.addf %scan3A_681, %mul3A_688 : vector<16xf32>
      scf.yield %add3A_687, %add3A_689 : vector<16xf32>, vector<16xf32>
    }
    %scan3A_34 = arith.constant 64 : i32
    %mul3A_35 = arith.constant 1.562500e-02 : f32
    %mul3A_36 = vector.broadcast %mul3A_35 : f32 to vector<16xf32>
    %mul3A_37 = arith.mulf %scan3A_33#0, %mul3A_36 : vector<16xf32>
    %broadcast_in_dim3A_38 = arith.constant 0.000000e+00 : f32
    %broadcast_in_dim3A_39 = vector.broadcast %broadcast_in_dim3A_38 : f32 to vector<16xf32>
    %scan3A_40 = arith.constant 0 : i32
    %scan3A_41 = arith.constant 64 : i32
    %scan3A_42 = arith.addi %scan3A_40, %scan3A_41 : i32
    %scan3A_43 = arith.constant 1 : i32
    %scan3A_44:2 = scf.for %scan3A_679 = %scan3A_40 to %scan3A_42 step %scan3A_43 iter_args(%scan3A_680 = %broadcast_in_dim3A_39, %scan3A_681 = %broadcast_in_dim3A_39) -> (vector<16xf32>, vector<16xf32>)  : i32 {
      %get3A = arith.constant 3 : i32
      %get3A_682 = arith.index_cast %get3A : i32 to index
      %get3A_683 = arith.index_cast %scan3A_679 : i32 to index
      %get3A_684 = arith.constant 0 : index
      %get3A_685 = tpu.vector_load %arg5[%get3A_682, %get3A_683, %get3A_684] {strides = array<i32>} : memref<4x64x128xf32, #tpu.memory_space<vmem>>, vector<1x1x16xf32>,
      %get3A_686 = vector.shape_cast %get3A_685 : vector<1x1x16xf32> to vector<16xf32>
      %add3A_687 = arith.addf %scan3A_680, %get3A_686 : vector<16xf32>
      %mul3A_688 = arith.mulf %get3A_686, %get3A_686 : vector<16xf32>
      %add3A_689 = arith.addf %scan3A_681, %mul3A_688 : vector<16xf32>
      scf.yield %add3A_687, %add3A_689 : vector<16xf32>, vector<16xf32>
    }
    %scan3A_45 = arith.constant 64 : i32
    %mul3A_46 = arith.constant 1.562500e-02 : f32
    %mul3A_47 = vector.broadcast %mul3A_46 : f32 to vector<16xf32>
    %mul3A_48 = arith.mulf %scan3A_44#0, %mul3A_47 : vector<16xf32>
    %broadcast_in_dim3A_49 = arith.constant 3.000000e+38 : f32
    %broadcast_in_dim3A_50 = vector.broadcast %broadcast_in_dim3A_49 : f32 to vector<16xf32>
    %scan3A_51 = arith.constant 0 : i32
    %scan3A_52 = arith.constant 256 : i32
    %scan3A_53 = arith.addi %scan3A_51, %scan3A_52 : i32
    %scan3A_54 = arith.constant 1 : i32
    %scan3A_55:4 = scf.for %scan3A_679 = %scan3A_51 to %scan3A_53 step %scan3A_54 iter_args(%scan3A_680 = %broadcast_in_dim3A_50, %scan3A_681 = %broadcast_in_dim3A_50, %scan3A_682 = %broadcast_in_dim3A_50, %scan3A_683 = %broadcast_in_dim3A_50) -> (vector<16xf32>, vector<16xf32>, vector<16xf32>, vector<16xf32>)  : i32 {
      %mul3A_684 = arith.constant 2 : i32
      %mul3A_685 = arith.muli %scan3A_679, %mul3A_684 : i32
      %add3A_686 = arith.constant 0 : i32
      %add3A_687 = arith.addi %mul3A_685, %add3A_686 : i32
      %get3A = arith.index_cast %add3A_687 : i32 to index
      %get3A_688 = arith.constant 0 : index
      %get3A_689 = tpu.vector_load %arg6[%get3A, %get3A_688] {strides = array<i32>} : memref<512x128xf32, #tpu.memory_space<vmem>>, vector<1x16xf32>,
      %get3A_690 = vector.shape_cast %get3A_689 : vector<1x16xf32> to vector<16xf32>
      %sub3A_691 = arith.subf %get3A_690, %mul3A_15 : vector<16xf32>
      %abs3A = math.absf %sub3A_691 : vector<16xf32>
      %min3A = arith.minimumf %scan3A_680, %abs3A : vector<16xf32>
      %sub3A_692 = arith.subf %get3A_690, %mul3A_26 : vector<16xf32>
      %abs3A_693 = math.absf %sub3A_692 : vector<16xf32>
      %min3A_694 = arith.minimumf %scan3A_681, %abs3A_693 : vector<16xf32>
      %sub3A_695 = arith.subf %get3A_690, %mul3A_37 : vector<16xf32>
      %abs3A_696 = math.absf %sub3A_695 : vector<16xf32>
      %min3A_697 = arith.minimumf %scan3A_682, %abs3A_696 : vector<16xf32>
      %sub3A_698 = arith.subf %get3A_690, %mul3A_48 : vector<16xf32>
      %abs3A_699 = math.absf %sub3A_698 : vector<16xf32>
      %min3A_700 = arith.minimumf %scan3A_683, %abs3A_699 : vector<16xf32>
      %mul3A_701 = arith.constant 2 : i32
      %mul3A_702 = arith.muli %scan3A_679, %mul3A_701 : i32
      %add3A_703 = arith.constant 1 : i32
      %add3A_704 = arith.addi %mul3A_702, %add3A_703 : i32
      %get3A_705 = arith.index_cast %add3A_704 : i32 to index
      %get3A_706 = arith.constant 0 : index
      %get3A_707 = tpu.vector_load %arg6[%get3A_705, %get3A_706] {strides = array<i32>} : memref<512x128xf32, #tpu.memory_space<vmem>>, vector<1x16xf32>,
      %get3A_708 = vector.shape_cast %get3A_707 : vector<1x16xf32> to vector<16xf32>
      %sub3A_709 = arith.subf %get3A_708, %mul3A_15 : vector<16xf32>
      %abs3A_710 = math.absf %sub3A_709 : vector<16xf32>
      %min3A_711 = arith.minimumf %min3A, %abs3A_710 : vector<16xf32>
      %sub3A_712 = arith.subf %get3A_708, %mul3A_26 : vector<16xf32>
      %abs3A_713 = math.absf %sub3A_712 : vector<16xf32>
      %min3A_714 = arith.minimumf %min3A_694, %abs3A_713 : vector<16xf32>
      %sub3A_715 = arith.subf %get3A_708, %mul3A_37 : vector<16xf32>
      %abs3A_716 = math.absf %sub3A_715 : vector<16xf32>
      %min3A_717 = arith.minimumf %min3A_697, %abs3A_716 : vector<16xf32>
      %sub3A_718 = arith.subf %get3A_708, %mul3A_48 : vector<16xf32>
      %abs3A_719 = math.absf %sub3A_718 : vector<16xf32>
      %min3A_720 = arith.minimumf %min3A_700, %abs3A_719 : vector<16xf32>
      scf.yield %min3A_711, %min3A_714, %min3A_717, %min3A_720 : vector<16xf32>, vector<16xf32>, vector<16xf32>, vector<16xf32>
    }
    %scan3A_56 = arith.constant 256 : i32
    %mul3A_57 = arith.mulf %scan3A_55#0, %scan3A_55#0 : vector<16xf32>
    %mul3A_58 = arith.mulf %mul3A_15, %mul3A_15 : vector<16xf32>
    %sub3A = arith.subf %mul3A_57, %mul3A_58 : vector<16xf32>
    %mul3A_59 = arith.constant 6.400000e+01 : f32
    %mul3A_60 = vector.broadcast %mul3A_59 : f32 to vector<16xf32>
    %mul3A_61 = arith.mulf %mul3A_60, %sub3A : vector<16xf32>
    %add3A_62 = arith.addf %mul3A_61, %scan3A_11#1 : vector<16xf32>
    %add3A_63 = arith.addf %broadcast_in_dim3A_5, %add3A_62 : vector<16xf32>
    %mul3A_64 = arith.mulf %scan3A_55#1, %scan3A_55#1 : vector<16xf32>
    %mul3A_65 = arith.mulf %mul3A_26, %mul3A_26 : vector<16xf32>
    %sub3A_66 = arith.subf %mul3A_64, %mul3A_65 : vector<16xf32>
    %mul3A_67 = arith.constant 6.400000e+01 : f32
    %mul3A_68 = vector.broadcast %mul3A_67 : f32 to vector<16xf32>
    %mul3A_69 = arith.mulf %mul3A_68, %sub3A_66 : vector<16xf32>
    %add3A_70 = arith.addf %mul3A_69, %scan3A_22#1 : vector<16xf32>
    %add3A_71 = arith.addf %add3A_63, %add3A_70 : vector<16xf32>
    %mul3A_72 = arith.mulf %scan3A_55#2, %scan3A_55#2 : vector<16xf32>
    %mul3A_73 = arith.mulf %mul3A_37, %mul3A_37 : vector<16xf32>
    %sub3A_74 = arith.subf %mul3A_72, %mul3A_73 : vector<16xf32>
    %mul3A_75 = arith.constant 6.400000e+01 : f32
    %mul3A_76 = vector.broadcast %mul3A_75 : f32 to vector<16xf32>
    %mul3A_77 = arith.mulf %mul3A_76, %sub3A_74 : vector<16xf32>
    %add3A_78 = arith.addf %mul3A_77, %scan3A_33#1 : vector<16xf32>
    %add3A_79 = arith.addf %add3A_71, %add3A_78 : vector<16xf32>
    %mul3A_80 = arith.mulf %scan3A_55#3, %scan3A_55#3 : vector<16xf32>
    %mul3A_81 = arith.mulf %mul3A_48, %mul3A_48 : vector<16xf32>
    %sub3A_82 = arith.subf %mul3A_80, %mul3A_81 : vector<16xf32>
    %mul3A_83 = arith.constant 6.400000e+01 : f32
    %mul3A_84 = vector.broadcast %mul3A_83 : f32 to vector<16xf32>
    %mul3A_85 = arith.mulf %mul3A_84, %sub3A_82 : vector<16xf32>
    %add3A_86 = arith.addf %mul3A_85, %scan3A_44#1 : vector<16xf32>
    %add3A_87 = arith.addf %add3A_79, %add3A_86 : vector<16xf32>
    %broadcast_in_dim3A_88 = arith.constant 0.000000e+00 : f32
    %broadcast_in_dim3A_89 = vector.broadcast %broadcast_in_dim3A_88 : f32 to vector<16xf32>
    %scan3A_90 = arith.constant 0 : i32
    %scan3A_91 = arith.constant 64 : i32
    %scan3A_92 = arith.addi %scan3A_90, %scan3A_91 : i32
    %scan3A_93 = arith.constant 1 : i32
    %scan3A_94:2 = scf.for %scan3A_679 = %scan3A_90 to %scan3A_92 step %scan3A_93 iter_args(%scan3A_680 = %broadcast_in_dim3A_89, %scan3A_681 = %broadcast_in_dim3A_89) -> (vector<16xf32>, vector<16xf32>)  : i32 {
      %get3A = arith.constant 0 : i32
      %get3A_682 = arith.index_cast %get3A : i32 to index
      %get3A_683 = arith.index_cast %scan3A_679 : i32 to index
      %get3A_684 = arith.constant 16 : index
      %get3A_685 = tpu.vector_load %arg5[%get3A_682, %get3A_683, %get3A_684] {strides = array<i32>} : memref<4x64x128xf32, #tpu.memory_space<vmem>>, vector<1x1x16xf32>,
      %get3A_686 = vector.shape_cast %get3A_685 : vector<1x1x16xf32> to vector<16xf32>
      %add3A_687 = arith.addf %scan3A_680, %get3A_686 : vector<16xf32>
      %mul3A_688 = arith.mulf %get3A_686, %get3A_686 : vector<16xf32>
      %add3A_689 = arith.addf %scan3A_681, %mul3A_688 : vector<16xf32>
      scf.yield %add3A_687, %add3A_689 : vector<16xf32>, vector<16xf32>
    }
    %scan3A_95 = arith.constant 64 : i32
    %mul3A_96 = arith.constant 1.562500e-02 : f32
    %mul3A_97 = vector.broadcast %mul3A_96 : f32 to vector<16xf32>
    %mul3A_98 = arith.mulf %scan3A_94#0, %mul3A_97 : vector<16xf32>
    %broadcast_in_dim3A_99 = arith.constant 0.000000e+00 : f32
    %broadcast_in_dim3A_100 = vector.broadcast %broadcast_in_dim3A_99 : f32 to vector<16xf32>
    %scan3A_101 = arith.constant 0 : i32
    %scan3A_102 = arith.constant 64 : i32
    %scan3A_103 = arith.addi %scan3A_101, %scan3A_102 : i32
    %scan3A_104 = arith.constant 1 : i32
    %scan3A_105:2 = scf.for %scan3A_679 = %scan3A_101 to %scan3A_103 step %scan3A_104 iter_args(%scan3A_680 = %broadcast_in_dim3A_100, %scan3A_681 = %broadcast_in_dim3A_100) -> (vector<16xf32>, vector<16xf32>)  : i32 {
      %get3A = arith.constant 1 : i32
      %get3A_682 = arith.index_cast %get3A : i32 to index
      %get3A_683 = arith.index_cast %scan3A_679 : i32 to index
      %get3A_684 = arith.constant 16 : index
      %get3A_685 = tpu.vector_load %arg5[%get3A_682, %get3A_683, %get3A_684] {strides = array<i32>} : memref<4x64x128xf32, #tpu.memory_space<vmem>>, vector<1x1x16xf32>,
      %get3A_686 = vector.shape_cast %get3A_685 : vector<1x1x16xf32> to vector<16xf32>
      %add3A_687 = arith.addf %scan3A_680, %get3A_686 : vector<16xf32>
      %mul3A_688 = arith.mulf %get3A_686, %get3A_686 : vector<16xf32>
      %add3A_689 = arith.addf %scan3A_681, %mul3A_688 : vector<16xf32>
      scf.yield %add3A_687, %add3A_689 : vector<16xf32>, vector<16xf32>
    }
    %scan3A_106 = arith.constant 64 : i32
    %mul3A_107 = arith.constant 1.562500e-02 : f32
    %mul3A_108 = vector.broadcast %mul3A_107 : f32 to vector<16xf32>
    %mul3A_109 = arith.mulf %scan3A_105#0, %mul3A_108 : vector<16xf32>
    %broadcast_in_dim3A_110 = arith.constant 0.000000e+00 : f32
    %broadcast_in_dim3A_111 = vector.broadcast %broadcast_in_dim3A_110 : f32 to vector<16xf32>
    %scan3A_112 = arith.constant 0 : i32
    %scan3A_113 = arith.constant 64 : i32
    %scan3A_114 = arith.addi %scan3A_112, %scan3A_113 : i32
    %scan3A_115 = arith.constant 1 : i32
    %scan3A_116:2 = scf.for %scan3A_679 = %scan3A_112 to %scan3A_114 step %scan3A_115 iter_args(%scan3A_680 = %broadcast_in_dim3A_111, %scan3A_681 = %broadcast_in_dim3A_111) -> (vector<16xf32>, vector<16xf32>)  : i32 {
      %get3A = arith.constant 2 : i32
      %get3A_682 = arith.index_cast %get3A : i32 to index
      %get3A_683 = arith.index_cast %scan3A_679 : i32 to index
      %get3A_684 = arith.constant 16 : index
      %get3A_685 = tpu.vector_load %arg5[%get3A_682, %get3A_683, %get3A_684] {strides = array<i32>} : memref<4x64x128xf32, #tpu.memory_space<vmem>>, vector<1x1x16xf32>,
      %get3A_686 = vector.shape_cast %get3A_685 : vector<1x1x16xf32> to vector<16xf32>
      %add3A_687 = arith.addf %scan3A_680, %get3A_686 : vector<16xf32>
      %mul3A_688 = arith.mulf %get3A_686, %get3A_686 : vector<16xf32>
      %add3A_689 = arith.addf %scan3A_681, %mul3A_688 : vector<16xf32>
      scf.yield %add3A_687, %add3A_689 : vector<16xf32>, vector<16xf32>
    }
    %scan3A_117 = arith.constant 64 : i32
    %mul3A_118 = arith.constant 1.562500e-02 : f32
    %mul3A_119 = vector.broadcast %mul3A_118 : f32 to vector<16xf32>
    %mul3A_120 = arith.mulf %scan3A_116#0, %mul3A_119 : vector<16xf32>
    %broadcast_in_dim3A_121 = arith.constant 0.000000e+00 : f32
    %broadcast_in_dim3A_122 = vector.broadcast %broadcast_in_dim3A_121 : f32 to vector<16xf32>
    %scan3A_123 = arith.constant 0 : i32
    %scan3A_124 = arith.constant 64 : i32
    %scan3A_125 = arith.addi %scan3A_123, %scan3A_124 : i32
    %scan3A_126 = arith.constant 1 : i32
    %scan3A_127:2 = scf.for %scan3A_679 = %scan3A_123 to %scan3A_125 step %scan3A_126 iter_args(%scan3A_680 = %broadcast_in_dim3A_122, %scan3A_681 = %broadcast_in_dim3A_122) -> (vector<16xf32>, vector<16xf32>)  : i32 {
      %get3A = arith.constant 3 : i32
      %get3A_682 = arith.index_cast %get3A : i32 to index
      %get3A_683 = arith.index_cast %scan3A_679 : i32 to index
      %get3A_684 = arith.constant 16 : index
      %get3A_685 = tpu.vector_load %arg5[%get3A_682, %get3A_683, %get3A_684] {strides = array<i32>} : memref<4x64x128xf32, #tpu.memory_space<vmem>>, vector<1x1x16xf32>,
      %get3A_686 = vector.shape_cast %get3A_685 : vector<1x1x16xf32> to vector<16xf32>
      %add3A_687 = arith.addf %scan3A_680, %get3A_686 : vector<16xf32>
      %mul3A_688 = arith.mulf %get3A_686, %get3A_686 : vector<16xf32>
      %add3A_689 = arith.addf %scan3A_681, %mul3A_688 : vector<16xf32>
      scf.yield %add3A_687, %add3A_689 : vector<16xf32>, vector<16xf32>
    }
    %scan3A_128 = arith.constant 64 : i32
    %mul3A_129 = arith.constant 1.562500e-02 : f32
    %mul3A_130 = vector.broadcast %mul3A_129 : f32 to vector<16xf32>
    %mul3A_131 = arith.mulf %scan3A_127#0, %mul3A_130 : vector<16xf32>
    %broadcast_in_dim3A_132 = arith.constant 3.000000e+38 : f32
    %broadcast_in_dim3A_133 = vector.broadcast %broadcast_in_dim3A_132 : f32 to vector<16xf32>
    %scan3A_134 = arith.constant 0 : i32
    %scan3A_135 = arith.constant 256 : i32
    %scan3A_136 = arith.addi %scan3A_134, %scan3A_135 : i32
    %scan3A_137 = arith.constant 1 : i32
    %scan3A_138:4 = scf.for %scan3A_679 = %scan3A_134 to %scan3A_136 step %scan3A_137 iter_args(%scan3A_680 = %broadcast_in_dim3A_133, %scan3A_681 = %broadcast_in_dim3A_133, %scan3A_682 = %broadcast_in_dim3A_133, %scan3A_683 = %broadcast_in_dim3A_133) -> (vector<16xf32>, vector<16xf32>, vector<16xf32>, vector<16xf32>)  : i32 {
      %mul3A_684 = arith.constant 2 : i32
      %mul3A_685 = arith.muli %scan3A_679, %mul3A_684 : i32
      %add3A_686 = arith.constant 0 : i32
      %add3A_687 = arith.addi %mul3A_685, %add3A_686 : i32
      %get3A = arith.index_cast %add3A_687 : i32 to index
      %get3A_688 = arith.constant 16 : index
      %get3A_689 = tpu.vector_load %arg6[%get3A, %get3A_688] {strides = array<i32>} : memref<512x128xf32, #tpu.memory_space<vmem>>, vector<1x16xf32>,
      %get3A_690 = vector.shape_cast %get3A_689 : vector<1x16xf32> to vector<16xf32>
      %sub3A_691 = arith.subf %get3A_690, %mul3A_98 : vector<16xf32>
      %abs3A = math.absf %sub3A_691 : vector<16xf32>
      %min3A = arith.minimumf %scan3A_680, %abs3A : vector<16xf32>
      %sub3A_692 = arith.subf %get3A_690, %mul3A_109 : vector<16xf32>
      %abs3A_693 = math.absf %sub3A_692 : vector<16xf32>
      %min3A_694 = arith.minimumf %scan3A_681, %abs3A_693 : vector<16xf32>
      %sub3A_695 = arith.subf %get3A_690, %mul3A_120 : vector<16xf32>
      %abs3A_696 = math.absf %sub3A_695 : vector<16xf32>
      %min3A_697 = arith.minimumf %scan3A_682, %abs3A_696 : vector<16xf32>
      %sub3A_698 = arith.subf %get3A_690, %mul3A_131 : vector<16xf32>
      %abs3A_699 = math.absf %sub3A_698 : vector<16xf32>
      %min3A_700 = arith.minimumf %scan3A_683, %abs3A_699 : vector<16xf32>
      %mul3A_701 = arith.constant 2 : i32
      %mul3A_702 = arith.muli %scan3A_679, %mul3A_701 : i32
      %add3A_703 = arith.constant 1 : i32
      %add3A_704 = arith.addi %mul3A_702, %add3A_703 : i32
      %get3A_705 = arith.index_cast %add3A_704 : i32 to index
      %get3A_706 = arith.constant 16 : index
      %get3A_707 = tpu.vector_load %arg6[%get3A_705, %get3A_706] {strides = array<i32>} : memref<512x128xf32, #tpu.memory_space<vmem>>, vector<1x16xf32>,
      %get3A_708 = vector.shape_cast %get3A_707 : vector<1x16xf32> to vector<16xf32>
      %sub3A_709 = arith.subf %get3A_708, %mul3A_98 : vector<16xf32>
      %abs3A_710 = math.absf %sub3A_709 : vector<16xf32>
      %min3A_711 = arith.minimumf %min3A, %abs3A_710 : vector<16xf32>
      %sub3A_712 = arith.subf %get3A_708, %mul3A_109 : vector<16xf32>
      %abs3A_713 = math.absf %sub3A_712 : vector<16xf32>
      %min3A_714 = arith.minimumf %min3A_694, %abs3A_713 : vector<16xf32>
      %sub3A_715 = arith.subf %get3A_708, %mul3A_120 : vector<16xf32>
      %abs3A_716 = math.absf %sub3A_715 : vector<16xf32>
      %min3A_717 = arith.minimumf %min3A_697, %abs3A_716 : vector<16xf32>
      %sub3A_718 = arith.subf %get3A_708, %mul3A_131 : vector<16xf32>
      %abs3A_719 = math.absf %sub3A_718 : vector<16xf32>
      %min3A_720 = arith.minimumf %min3A_700, %abs3A_719 : vector<16xf32>
      scf.yield %min3A_711, %min3A_714, %min3A_717, %min3A_720 : vector<16xf32>, vector<16xf32>, vector<16xf32>, vector<16xf32>
    }
    %scan3A_139 = arith.constant 256 : i32
    %mul3A_140 = arith.mulf %scan3A_138#0, %scan3A_138#0 : vector<16xf32>
    %mul3A_141 = arith.mulf %mul3A_98, %mul3A_98 : vector<16xf32>
    %sub3A_142 = arith.subf %mul3A_140, %mul3A_141 : vector<16xf32>
    %mul3A_143 = arith.constant 6.400000e+01 : f32
    %mul3A_144 = vector.broadcast %mul3A_143 : f32 to vector<16xf32>
    %mul3A_145 = arith.mulf %mul3A_144, %sub3A_142 : vector<16xf32>
    %add3A_146 = arith.addf %mul3A_145, %scan3A_94#1 : vector<16xf32>
    %add3A_147 = arith.addf %add3A_87, %add3A_146 : vector<16xf32>
    %mul3A_148 = arith.mulf %scan3A_138#1, %scan3A_138#1 : vector<16xf32>
    %mul3A_149 = arith.mulf %mul3A_109, %mul3A_109 : vector<16xf32>
    %sub3A_150 = arith.subf %mul3A_148, %mul3A_149 : vector<16xf32>
    %mul3A_151 = arith.constant 6.400000e+01 : f32
    %mul3A_152 = vector.broadcast %mul3A_151 : f32 to vector<16xf32>
    %mul3A_153 = arith.mulf %mul3A_152, %sub3A_150 : vector<16xf32>
    %add3A_154 = arith.addf %mul3A_153, %scan3A_105#1 : vector<16xf32>
    %add3A_155 = arith.addf %add3A_147, %add3A_154 : vector<16xf32>
    %mul3A_156 = arith.mulf %scan3A_138#2, %scan3A_138#2 : vector<16xf32>
    %mul3A_157 = arith.mulf %mul3A_120, %mul3A_120 : vector<16xf32>
    %sub3A_158 = arith.subf %mul3A_156, %mul3A_157 : vector<16xf32>
    %mul3A_159 = arith.constant 6.400000e+01 : f32
    %mul3A_160 = vector.broadcast %mul3A_159 : f32 to vector<16xf32>
    %mul3A_161 = arith.mulf %mul3A_160, %sub3A_158 : vector<16xf32>
    %add3A_162 = arith.addf %mul3A_161, %scan3A_116#1 : vector<16xf32>
    %add3A_163 = arith.addf %add3A_155, %add3A_162 : vector<16xf32>
    %mul3A_164 = arith.mulf %scan3A_138#3, %scan3A_138#3 : vector<16xf32>
    %mul3A_165 = arith.mulf %mul3A_131, %mul3A_131 : vector<16xf32>
    %sub3A_166 = arith.subf %mul3A_164, %mul3A_165 : vector<16xf32>
    %mul3A_167 = arith.constant 6.400000e+01 : f32
    %mul3A_168 = vector.broadcast %mul3A_167 : f32 to vector<16xf32>
    %mul3A_169 = arith.mulf %mul3A_168, %sub3A_166 : vector<16xf32>
    %add3A_170 = arith.addf %mul3A_169, %scan3A_127#1 : vector<16xf32>
    %add3A_171 = arith.addf %add3A_163, %add3A_170 : vector<16xf32>
    %broadcast_in_dim3A_172 = arith.constant 0.000000e+00 : f32
    %broadcast_in_dim3A_173 = vector.broadcast %broadcast_in_dim3A_172 : f32 to vector<16xf32>
    %scan3A_174 = arith.constant 0 : i32
    %scan3A_175 = arith.constant 64 : i32
    %scan3A_176 = arith.addi %scan3A_174, %scan3A_175 : i32
    %scan3A_177 = arith.constant 1 : i32
    %scan3A_178:2 = scf.for %scan3A_679 = %scan3A_174 to %scan3A_176 step %scan3A_177 iter_args(%scan3A_680 = %broadcast_in_dim3A_173, %scan3A_681 = %broadcast_in_dim3A_173) -> (vector<16xf32>, vector<16xf32>)  : i32 {
      %get3A = arith.constant 0 : i32
      %get3A_682 = arith.index_cast %get3A : i32 to index
      %get3A_683 = arith.index_cast %scan3A_679 : i32 to index
      %get3A_684 = arith.constant 32 : index
      %get3A_685 = tpu.vector_load %arg5[%get3A_682, %get3A_683, %get3A_684] {strides = array<i32>} : memref<4x64x128xf32, #tpu.memory_space<vmem>>, vector<1x1x16xf32>,
      %get3A_686 = vector.shape_cast %get3A_685 : vector<1x1x16xf32> to vector<16xf32>
      %add3A_687 = arith.addf %scan3A_680, %get3A_686 : vector<16xf32>
      %mul3A_688 = arith.mulf %get3A_686, %get3A_686 : vector<16xf32>
      %add3A_689 = arith.addf %scan3A_681, %mul3A_688 : vector<16xf32>
      scf.yield %add3A_687, %add3A_689 : vector<16xf32>, vector<16xf32>
    }
    %scan3A_179 = arith.constant 64 : i32
    %mul3A_180 = arith.constant 1.562500e-02 : f32
    %mul3A_181 = vector.broadcast %mul3A_180 : f32 to vector<16xf32>
    %mul3A_182 = arith.mulf %scan3A_178#0, %mul3A_181 : vector<16xf32>
    %broadcast_in_dim3A_183 = arith.constant 0.000000e+00 : f32
    %broadcast_in_dim3A_184 = vector.broadcast %broadcast_in_dim3A_183 : f32 to vector<16xf32>
    %scan3A_185 = arith.constant 0 : i32
    %scan3A_186 = arith.constant 64 : i32
    %scan3A_187 = arith.addi %scan3A_185, %scan3A_186 : i32
    %scan3A_188 = arith.constant 1 : i32
    %scan3A_189:2 = scf.for %scan3A_679 = %scan3A_185 to %scan3A_187 step %scan3A_188 iter_args(%scan3A_680 = %broadcast_in_dim3A_184, %scan3A_681 = %broadcast_in_dim3A_184) -> (vector<16xf32>, vector<16xf32>)  : i32 {
      %get3A = arith.constant 1 : i32
      %get3A_682 = arith.index_cast %get3A : i32 to index
      %get3A_683 = arith.index_cast %scan3A_679 : i32 to index
      %get3A_684 = arith.constant 32 : index
      %get3A_685 = tpu.vector_load %arg5[%get3A_682, %get3A_683, %get3A_684] {strides = array<i32>} : memref<4x64x128xf32, #tpu.memory_space<vmem>>, vector<1x1x16xf32>,
      %get3A_686 = vector.shape_cast %get3A_685 : vector<1x1x16xf32> to vector<16xf32>
      %add3A_687 = arith.addf %scan3A_680, %get3A_686 : vector<16xf32>
      %mul3A_688 = arith.mulf %get3A_686, %get3A_686 : vector<16xf32>
      %add3A_689 = arith.addf %scan3A_681, %mul3A_688 : vector<16xf32>
      scf.yield %add3A_687, %add3A_689 : vector<16xf32>, vector<16xf32>
    }
    %scan3A_190 = arith.constant 64 : i32
    %mul3A_191 = arith.constant 1.562500e-02 : f32
    %mul3A_192 = vector.broadcast %mul3A_191 : f32 to vector<16xf32>
    %mul3A_193 = arith.mulf %scan3A_189#0, %mul3A_192 : vector<16xf32>
    %broadcast_in_dim3A_194 = arith.constant 0.000000e+00 : f32
    %broadcast_in_dim3A_195 = vector.broadcast %broadcast_in_dim3A_194 : f32 to vector<16xf32>
    %scan3A_196 = arith.constant 0 : i32
    %scan3A_197 = arith.constant 64 : i32
    %scan3A_198 = arith.addi %scan3A_196, %scan3A_197 : i32
    %scan3A_199 = arith.constant 1 : i32
    %scan3A_200:2 = scf.for %scan3A_679 = %scan3A_196 to %scan3A_198 step %scan3A_199 iter_args(%scan3A_680 = %broadcast_in_dim3A_195, %scan3A_681 = %broadcast_in_dim3A_195) -> (vector<16xf32>, vector<16xf32>)  : i32 {
      %get3A = arith.constant 2 : i32
      %get3A_682 = arith.index_cast %get3A : i32 to index
      %get3A_683 = arith.index_cast %scan3A_679 : i32 to index
      %get3A_684 = arith.constant 32 : index
      %get3A_685 = tpu.vector_load %arg5[%get3A_682, %get3A_683, %get3A_684] {strides = array<i32>} : memref<4x64x128xf32, #tpu.memory_space<vmem>>, vector<1x1x16xf32>,
      %get3A_686 = vector.shape_cast %get3A_685 : vector<1x1x16xf32> to vector<16xf32>
      %add3A_687 = arith.addf %scan3A_680, %get3A_686 : vector<16xf32>
      %mul3A_688 = arith.mulf %get3A_686, %get3A_686 : vector<16xf32>
      %add3A_689 = arith.addf %scan3A_681, %mul3A_688 : vector<16xf32>
      scf.yield %add3A_687, %add3A_689 : vector<16xf32>, vector<16xf32>
    }
    %scan3A_201 = arith.constant 64 : i32
    %mul3A_202 = arith.constant 1.562500e-02 : f32
    %mul3A_203 = vector.broadcast %mul3A_202 : f32 to vector<16xf32>
    %mul3A_204 = arith.mulf %scan3A_200#0, %mul3A_203 : vector<16xf32>
    %broadcast_in_dim3A_205 = arith.constant 0.000000e+00 : f32
    %broadcast_in_dim3A_206 = vector.broadcast %broadcast_in_dim3A_205 : f32 to vector<16xf32>
    %scan3A_207 = arith.constant 0 : i32
    %scan3A_208 = arith.constant 64 : i32
    %scan3A_209 = arith.addi %scan3A_207, %scan3A_208 : i32
    %scan3A_210 = arith.constant 1 : i32
    %scan3A_211:2 = scf.for %scan3A_679 = %scan3A_207 to %scan3A_209 step %scan3A_210 iter_args(%scan3A_680 = %broadcast_in_dim3A_206, %scan3A_681 = %broadcast_in_dim3A_206) -> (vector<16xf32>, vector<16xf32>)  : i32 {
      %get3A = arith.constant 3 : i32
      %get3A_682 = arith.index_cast %get3A : i32 to index
      %get3A_683 = arith.index_cast %scan3A_679 : i32 to index
      %get3A_684 = arith.constant 32 : index
      %get3A_685 = tpu.vector_load %arg5[%get3A_682, %get3A_683, %get3A_684] {strides = array<i32>} : memref<4x64x128xf32, #tpu.memory_space<vmem>>, vector<1x1x16xf32>,
      %get3A_686 = vector.shape_cast %get3A_685 : vector<1x1x16xf32> to vector<16xf32>
      %add3A_687 = arith.addf %scan3A_680, %get3A_686 : vector<16xf32>
      %mul3A_688 = arith.mulf %get3A_686, %get3A_686 : vector<16xf32>
      %add3A_689 = arith.addf %scan3A_681, %mul3A_688 : vector<16xf32>
      scf.yield %add3A_687, %add3A_689 : vector<16xf32>, vector<16xf32>
    }
    %scan3A_212 = arith.constant 64 : i32
    %mul3A_213 = arith.constant 1.562500e-02 : f32
    %mul3A_214 = vector.broadcast %mul3A_213 : f32 to vector<16xf32>
    %mul3A_215 = arith.mulf %scan3A_211#0, %mul3A_214 : vector<16xf32>
    %broadcast_in_dim3A_216 = arith.constant 3.000000e+38 : f32
    %broadcast_in_dim3A_217 = vector.broadcast %broadcast_in_dim3A_216 : f32 to vector<16xf32>
    %scan3A_218 = arith.constant 0 : i32
    %scan3A_219 = arith.constant 256 : i32
    %scan3A_220 = arith.addi %scan3A_218, %scan3A_219 : i32
    %scan3A_221 = arith.constant 1 : i32
    %scan3A_222:4 = scf.for %scan3A_679 = %scan3A_218 to %scan3A_220 step %scan3A_221 iter_args(%scan3A_680 = %broadcast_in_dim3A_217, %scan3A_681 = %broadcast_in_dim3A_217, %scan3A_682 = %broadcast_in_dim3A_217, %scan3A_683 = %broadcast_in_dim3A_217) -> (vector<16xf32>, vector<16xf32>, vector<16xf32>, vector<16xf32>)  : i32 {
      %mul3A_684 = arith.constant 2 : i32
      %mul3A_685 = arith.muli %scan3A_679, %mul3A_684 : i32
      %add3A_686 = arith.constant 0 : i32
      %add3A_687 = arith.addi %mul3A_685, %add3A_686 : i32
      %get3A = arith.index_cast %add3A_687 : i32 to index
      %get3A_688 = arith.constant 32 : index
      %get3A_689 = tpu.vector_load %arg6[%get3A, %get3A_688] {strides = array<i32>} : memref<512x128xf32, #tpu.memory_space<vmem>>, vector<1x16xf32>,
      %get3A_690 = vector.shape_cast %get3A_689 : vector<1x16xf32> to vector<16xf32>
      %sub3A_691 = arith.subf %get3A_690, %mul3A_182 : vector<16xf32>
      %abs3A = math.absf %sub3A_691 : vector<16xf32>
      %min3A = arith.minimumf %scan3A_680, %abs3A : vector<16xf32>
      %sub3A_692 = arith.subf %get3A_690, %mul3A_193 : vector<16xf32>
      %abs3A_693 = math.absf %sub3A_692 : vector<16xf32>
      %min3A_694 = arith.minimumf %scan3A_681, %abs3A_693 : vector<16xf32>
      %sub3A_695 = arith.subf %get3A_690, %mul3A_204 : vector<16xf32>
      %abs3A_696 = math.absf %sub3A_695 : vector<16xf32>
      %min3A_697 = arith.minimumf %scan3A_682, %abs3A_696 : vector<16xf32>
      %sub3A_698 = arith.subf %get3A_690, %mul3A_215 : vector<16xf32>
      %abs3A_699 = math.absf %sub3A_698 : vector<16xf32>
      %min3A_700 = arith.minimumf %scan3A_683, %abs3A_699 : vector<16xf32>
      %mul3A_701 = arith.constant 2 : i32
      %mul3A_702 = arith.muli %scan3A_679, %mul3A_701 : i32
      %add3A_703 = arith.constant 1 : i32
      %add3A_704 = arith.addi %mul3A_702, %add3A_703 : i32
      %get3A_705 = arith.index_cast %add3A_704 : i32 to index
      %get3A_706 = arith.constant 32 : index
      %get3A_707 = tpu.vector_load %arg6[%get3A_705, %get3A_706] {strides = array<i32>} : memref<512x128xf32, #tpu.memory_space<vmem>>, vector<1x16xf32>,
      %get3A_708 = vector.shape_cast %get3A_707 : vector<1x16xf32> to vector<16xf32>
      %sub3A_709 = arith.subf %get3A_708, %mul3A_182 : vector<16xf32>
      %abs3A_710 = math.absf %sub3A_709 : vector<16xf32>
      %min3A_711 = arith.minimumf %min3A, %abs3A_710 : vector<16xf32>
      %sub3A_712 = arith.subf %get3A_708, %mul3A_193 : vector<16xf32>
      %abs3A_713 = math.absf %sub3A_712 : vector<16xf32>
      %min3A_714 = arith.minimumf %min3A_694, %abs3A_713 : vector<16xf32>
      %sub3A_715 = arith.subf %get3A_708, %mul3A_204 : vector<16xf32>
      %abs3A_716 = math.absf %sub3A_715 : vector<16xf32>
      %min3A_717 = arith.minimumf %min3A_697, %abs3A_716 : vector<16xf32>
      %sub3A_718 = arith.subf %get3A_708, %mul3A_215 : vector<16xf32>
      %abs3A_719 = math.absf %sub3A_718 : vector<16xf32>
      %min3A_720 = arith.minimumf %min3A_700, %abs3A_719 : vector<16xf32>
      scf.yield %min3A_711, %min3A_714, %min3A_717, %min3A_720 : vector<16xf32>, vector<16xf32>, vector<16xf32>, vector<16xf32>
    }
    %scan3A_223 = arith.constant 256 : i32
    %mul3A_224 = arith.mulf %scan3A_222#0, %scan3A_222#0 : vector<16xf32>
    %mul3A_225 = arith.mulf %mul3A_182, %mul3A_182 : vector<16xf32>
    %sub3A_226 = arith.subf %mul3A_224, %mul3A_225 : vector<16xf32>
    %mul3A_227 = arith.constant 6.400000e+01 : f32
    %mul3A_228 = vector.broadcast %mul3A_227 : f32 to vector<16xf32>
    %mul3A_229 = arith.mulf %mul3A_228, %sub3A_226 : vector<16xf32>
    %add3A_230 = arith.addf %mul3A_229, %scan3A_178#1 : vector<16xf32>
    %add3A_231 = arith.addf %add3A_171, %add3A_230 : vector<16xf32>
    %mul3A_232 = arith.mulf %scan3A_222#1, %scan3A_222#1 : vector<16xf32>
    %mul3A_233 = arith.mulf %mul3A_193, %mul3A_193 : vector<16xf32>
    %sub3A_234 = arith.subf %mul3A_232, %mul3A_233 : vector<16xf32>
    %mul3A_235 = arith.constant 6.400000e+01 : f32
    %mul3A_236 = vector.broadcast %mul3A_235 : f32 to vector<16xf32>
    %mul3A_237 = arith.mulf %mul3A_236, %sub3A_234 : vector<16xf32>
    %add3A_238 = arith.addf %mul3A_237, %scan3A_189#1 : vector<16xf32>
    %add3A_239 = arith.addf %add3A_231, %add3A_238 : vector<16xf32>
    %mul3A_240 = arith.mulf %scan3A_222#2, %scan3A_222#2 : vector<16xf32>
    %mul3A_241 = arith.mulf %mul3A_204, %mul3A_204 : vector<16xf32>
    %sub3A_242 = arith.subf %mul3A_240, %mul3A_241 : vector<16xf32>
    %mul3A_243 = arith.constant 6.400000e+01 : f32
    %mul3A_244 = vector.broadcast %mul3A_243 : f32 to vector<16xf32>
    %mul3A_245 = arith.mulf %mul3A_244, %sub3A_242 : vector<16xf32>
    %add3A_246 = arith.addf %mul3A_245, %scan3A_200#1 : vector<16xf32>
    %add3A_247 = arith.addf %add3A_239, %add3A_246 : vector<16xf32>
    %mul3A_248 = arith.mulf %scan3A_222#3, %scan3A_222#3 : vector<16xf32>
    %mul3A_249 = arith.mulf %mul3A_215, %mul3A_215 : vector<16xf32>
    %sub3A_250 = arith.subf %mul3A_248, %mul3A_249 : vector<16xf32>
    %mul3A_251 = arith.constant 6.400000e+01 : f32
    %mul3A_252 = vector.broadcast %mul3A_251 : f32 to vector<16xf32>
    %mul3A_253 = arith.mulf %mul3A_252, %sub3A_250 : vector<16xf32>
    %add3A_254 = arith.addf %mul3A_253, %scan3A_211#1 : vector<16xf32>
    %add3A_255 = arith.addf %add3A_247, %add3A_254 : vector<16xf32>
    %broadcast_in_dim3A_256 = arith.constant 0.000000e+00 : f32
    %broadcast_in_dim3A_257 = vector.broadcast %broadcast_in_dim3A_256 : f32 to vector<16xf32>
    %scan3A_258 = arith.constant 0 : i32
    %scan3A_259 = arith.constant 64 : i32
    %scan3A_260 = arith.addi %scan3A_258, %scan3A_259 : i32
    %scan3A_261 = arith.constant 1 : i32
    %scan3A_262:2 = scf.for %scan3A_679 = %scan3A_258 to %scan3A_260 step %scan3A_261 iter_args(%scan3A_680 = %broadcast_in_dim3A_257, %scan3A_681 = %broadcast_in_dim3A_257) -> (vector<16xf32>, vector<16xf32>)  : i32 {
      %get3A = arith.constant 0 : i32
      %get3A_682 = arith.index_cast %get3A : i32 to index
      %get3A_683 = arith.index_cast %scan3A_679 : i32 to index
      %get3A_684 = arith.constant 48 : index
      %get3A_685 = tpu.vector_load %arg5[%get3A_682, %get3A_683, %get3A_684] {strides = array<i32>} : memref<4x64x128xf32, #tpu.memory_space<vmem>>, vector<1x1x16xf32>,
      %get3A_686 = vector.shape_cast %get3A_685 : vector<1x1x16xf32> to vector<16xf32>
      %add3A_687 = arith.addf %scan3A_680, %get3A_686 : vector<16xf32>
      %mul3A_688 = arith.mulf %get3A_686, %get3A_686 : vector<16xf32>
      %add3A_689 = arith.addf %scan3A_681, %mul3A_688 : vector<16xf32>
      scf.yield %add3A_687, %add3A_689 : vector<16xf32>, vector<16xf32>
    }
    %scan3A_263 = arith.constant 64 : i32
    %mul3A_264 = arith.constant 1.562500e-02 : f32
    %mul3A_265 = vector.broadcast %mul3A_264 : f32 to vector<16xf32>
    %mul3A_266 = arith.mulf %scan3A_262#0, %mul3A_265 : vector<16xf32>
    %broadcast_in_dim3A_267 = arith.constant 0.000000e+00 : f32
    %broadcast_in_dim3A_268 = vector.broadcast %broadcast_in_dim3A_267 : f32 to vector<16xf32>
    %scan3A_269 = arith.constant 0 : i32
    %scan3A_270 = arith.constant 64 : i32
    %scan3A_271 = arith.addi %scan3A_269, %scan3A_270 : i32
    %scan3A_272 = arith.constant 1 : i32
    %scan3A_273:2 = scf.for %scan3A_679 = %scan3A_269 to %scan3A_271 step %scan3A_272 iter_args(%scan3A_680 = %broadcast_in_dim3A_268, %scan3A_681 = %broadcast_in_dim3A_268) -> (vector<16xf32>, vector<16xf32>)  : i32 {
      %get3A = arith.constant 1 : i32
      %get3A_682 = arith.index_cast %get3A : i32 to index
      %get3A_683 = arith.index_cast %scan3A_679 : i32 to index
      %get3A_684 = arith.constant 48 : index
      %get3A_685 = tpu.vector_load %arg5[%get3A_682, %get3A_683, %get3A_684] {strides = array<i32>} : memref<4x64x128xf32, #tpu.memory_space<vmem>>, vector<1x1x16xf32>,
      %get3A_686 = vector.shape_cast %get3A_685 : vector<1x1x16xf32> to vector<16xf32>
      %add3A_687 = arith.addf %scan3A_680, %get3A_686 : vector<16xf32>
      %mul3A_688 = arith.mulf %get3A_686, %get3A_686 : vector<16xf32>
      %add3A_689 = arith.addf %scan3A_681, %mul3A_688 : vector<16xf32>
      scf.yield %add3A_687, %add3A_689 : vector<16xf32>, vector<16xf32>
    }
    %scan3A_274 = arith.constant 64 : i32
    %mul3A_275 = arith.constant 1.562500e-02 : f32
    %mul3A_276 = vector.broadcast %mul3A_275 : f32 to vector<16xf32>
    %mul3A_277 = arith.mulf %scan3A_273#0, %mul3A_276 : vector<16xf32>
    %broadcast_in_dim3A_278 = arith.constant 0.000000e+00 : f32
    %broadcast_in_dim3A_279 = vector.broadcast %broadcast_in_dim3A_278 : f32 to vector<16xf32>
    %scan3A_280 = arith.constant 0 : i32
    %scan3A_281 = arith.constant 64 : i32
    %scan3A_282 = arith.addi %scan3A_280, %scan3A_281 : i32
    %scan3A_283 = arith.constant 1 : i32
    %scan3A_284:2 = scf.for %scan3A_679 = %scan3A_280 to %scan3A_282 step %scan3A_283 iter_args(%scan3A_680 = %broadcast_in_dim3A_279, %scan3A_681 = %broadcast_in_dim3A_279) -> (vector<16xf32>, vector<16xf32>)  : i32 {
      %get3A = arith.constant 2 : i32
      %get3A_682 = arith.index_cast %get3A : i32 to index
      %get3A_683 = arith.index_cast %scan3A_679 : i32 to index
      %get3A_684 = arith.constant 48 : index
      %get3A_685 = tpu.vector_load %arg5[%get3A_682, %get3A_683, %get3A_684] {strides = array<i32>} : memref<4x64x128xf32, #tpu.memory_space<vmem>>, vector<1x1x16xf32>,
      %get3A_686 = vector.shape_cast %get3A_685 : vector<1x1x16xf32> to vector<16xf32>
      %add3A_687 = arith.addf %scan3A_680, %get3A_686 : vector<16xf32>
      %mul3A_688 = arith.mulf %get3A_686, %get3A_686 : vector<16xf32>
      %add3A_689 = arith.addf %scan3A_681, %mul3A_688 : vector<16xf32>
      scf.yield %add3A_687, %add3A_689 : vector<16xf32>, vector<16xf32>
    }
    %scan3A_285 = arith.constant 64 : i32
    %mul3A_286 = arith.constant 1.562500e-02 : f32
    %mul3A_287 = vector.broadcast %mul3A_286 : f32 to vector<16xf32>
    %mul3A_288 = arith.mulf %scan3A_284#0, %mul3A_287 : vector<16xf32>
    %broadcast_in_dim3A_289 = arith.constant 0.000000e+00 : f32
    %broadcast_in_dim3A_290 = vector.broadcast %broadcast_in_dim3A_289 : f32 to vector<16xf32>
    %scan3A_291 = arith.constant 0 : i32
    %scan3A_292 = arith.constant 64 : i32
    %scan3A_293 = arith.addi %scan3A_291, %scan3A_292 : i32
    %scan3A_294 = arith.constant 1 : i32
    %scan3A_295:2 = scf.for %scan3A_679 = %scan3A_291 to %scan3A_293 step %scan3A_294 iter_args(%scan3A_680 = %broadcast_in_dim3A_290, %scan3A_681 = %broadcast_in_dim3A_290) -> (vector<16xf32>, vector<16xf32>)  : i32 {
      %get3A = arith.constant 3 : i32
      %get3A_682 = arith.index_cast %get3A : i32 to index
      %get3A_683 = arith.index_cast %scan3A_679 : i32 to index
      %get3A_684 = arith.constant 48 : index
      %get3A_685 = tpu.vector_load %arg5[%get3A_682, %get3A_683, %get3A_684] {strides = array<i32>} : memref<4x64x128xf32, #tpu.memory_space<vmem>>, vector<1x1x16xf32>,
      %get3A_686 = vector.shape_cast %get3A_685 : vector<1x1x16xf32> to vector<16xf32>
      %add3A_687 = arith.addf %scan3A_680, %get3A_686 : vector<16xf32>
      %mul3A_688 = arith.mulf %get3A_686, %get3A_686 : vector<16xf32>
      %add3A_689 = arith.addf %scan3A_681, %mul3A_688 : vector<16xf32>
      scf.yield %add3A_687, %add3A_689 : vector<16xf32>, vector<16xf32>
    }
    %scan3A_296 = arith.constant 64 : i32
    %mul3A_297 = arith.constant 1.562500e-02 : f32
    %mul3A_298 = vector.broadcast %mul3A_297 : f32 to vector<16xf32>
    %mul3A_299 = arith.mulf %scan3A_295#0, %mul3A_298 : vector<16xf32>
    %broadcast_in_dim3A_300 = arith.constant 3.000000e+38 : f32
    %broadcast_in_dim3A_301 = vector.broadcast %broadcast_in_dim3A_300 : f32 to vector<16xf32>
    %scan3A_302 = arith.constant 0 : i32
    %scan3A_303 = arith.constant 256 : i32
    %scan3A_304 = arith.addi %scan3A_302, %scan3A_303 : i32
    %scan3A_305 = arith.constant 1 : i32
    %scan3A_306:4 = scf.for %scan3A_679 = %scan3A_302 to %scan3A_304 step %scan3A_305 iter_args(%scan3A_680 = %broadcast_in_dim3A_301, %scan3A_681 = %broadcast_in_dim3A_301, %scan3A_682 = %broadcast_in_dim3A_301, %scan3A_683 = %broadcast_in_dim3A_301) -> (vector<16xf32>, vector<16xf32>, vector<16xf32>, vector<16xf32>)  : i32 {
      %mul3A_684 = arith.constant 2 : i32
      %mul3A_685 = arith.muli %scan3A_679, %mul3A_684 : i32
      %add3A_686 = arith.constant 0 : i32
      %add3A_687 = arith.addi %mul3A_685, %add3A_686 : i32
      %get3A = arith.index_cast %add3A_687 : i32 to index
      %get3A_688 = arith.constant 48 : index
      %get3A_689 = tpu.vector_load %arg6[%get3A, %get3A_688] {strides = array<i32>} : memref<512x128xf32, #tpu.memory_space<vmem>>, vector<1x16xf32>,
      %get3A_690 = vector.shape_cast %get3A_689 : vector<1x16xf32> to vector<16xf32>
      %sub3A_691 = arith.subf %get3A_690, %mul3A_266 : vector<16xf32>
      %abs3A = math.absf %sub3A_691 : vector<16xf32>
      %min3A = arith.minimumf %scan3A_680, %abs3A : vector<16xf32>
      %sub3A_692 = arith.subf %get3A_690, %mul3A_277 : vector<16xf32>
      %abs3A_693 = math.absf %sub3A_692 : vector<16xf32>
      %min3A_694 = arith.minimumf %scan3A_681, %abs3A_693 : vector<16xf32>
      %sub3A_695 = arith.subf %get3A_690, %mul3A_288 : vector<16xf32>
      %abs3A_696 = math.absf %sub3A_695 : vector<16xf32>
      %min3A_697 = arith.minimumf %scan3A_682, %abs3A_696 : vector<16xf32>
      %sub3A_698 = arith.subf %get3A_690, %mul3A_299 : vector<16xf32>
      %abs3A_699 = math.absf %sub3A_698 : vector<16xf32>
      %min3A_700 = arith.minimumf %scan3A_683, %abs3A_699 : vector<16xf32>
      %mul3A_701 = arith.constant 2 : i32
      %mul3A_702 = arith.muli %scan3A_679, %mul3A_701 : i32
      %add3A_703 = arith.constant 1 : i32
      %add3A_704 = arith.addi %mul3A_702, %add3A_703 : i32
      %get3A_705 = arith.index_cast %add3A_704 : i32 to index
      %get3A_706 = arith.constant 48 : index
      %get3A_707 = tpu.vector_load %arg6[%get3A_705, %get3A_706] {strides = array<i32>} : memref<512x128xf32, #tpu.memory_space<vmem>>, vector<1x16xf32>,
      %get3A_708 = vector.shape_cast %get3A_707 : vector<1x16xf32> to vector<16xf32>
      %sub3A_709 = arith.subf %get3A_708, %mul3A_266 : vector<16xf32>
      %abs3A_710 = math.absf %sub3A_709 : vector<16xf32>
      %min3A_711 = arith.minimumf %min3A, %abs3A_710 : vector<16xf32>
      %sub3A_712 = arith.subf %get3A_708, %mul3A_277 : vector<16xf32>
      %abs3A_713 = math.absf %sub3A_712 : vector<16xf32>
      %min3A_714 = arith.minimumf %min3A_694, %abs3A_713 : vector<16xf32>
      %sub3A_715 = arith.subf %get3A_708, %mul3A_288 : vector<16xf32>
      %abs3A_716 = math.absf %sub3A_715 : vector<16xf32>
      %min3A_717 = arith.minimumf %min3A_697, %abs3A_716 : vector<16xf32>
      %sub3A_718 = arith.subf %get3A_708, %mul3A_299 : vector<16xf32>
      %abs3A_719 = math.absf %sub3A_718 : vector<16xf32>
      %min3A_720 = arith.minimumf %min3A_700, %abs3A_719 : vector<16xf32>
      scf.yield %min3A_711, %min3A_714, %min3A_717, %min3A_720 : vector<16xf32>, vector<16xf32>, vector<16xf32>, vector<16xf32>
    }
    %scan3A_307 = arith.constant 256 : i32
    %mul3A_308 = arith.mulf %scan3A_306#0, %scan3A_306#0 : vector<16xf32>
    %mul3A_309 = arith.mulf %mul3A_266, %mul3A_266 : vector<16xf32>
    %sub3A_310 = arith.subf %mul3A_308, %mul3A_309 : vector<16xf32>
    %mul3A_311 = arith.constant 6.400000e+01 : f32
    %mul3A_312 = vector.broadcast %mul3A_311 : f32 to vector<16xf32>
    %mul3A_313 = arith.mulf %mul3A_312, %sub3A_310 : vector<16xf32>
    %add3A_314 = arith.addf %mul3A_313, %scan3A_262#1 : vector<16xf32>
    %add3A_315 = arith.addf %add3A_255, %add3A_314 : vector<16xf32>
    %mul3A_316 = arith.mulf %scan3A_306#1, %scan3A_306#1 : vector<16xf32>
    %mul3A_317 = arith.mulf %mul3A_277, %mul3A_277 : vector<16xf32>
    %sub3A_318 = arith.subf %mul3A_316, %mul3A_317 : vector<16xf32>
    %mul3A_319 = arith.constant 6.400000e+01 : f32
    %mul3A_320 = vector.broadcast %mul3A_319 : f32 to vector<16xf32>
    %mul3A_321 = arith.mulf %mul3A_320, %sub3A_318 : vector<16xf32>
    %add3A_322 = arith.addf %mul3A_321, %scan3A_273#1 : vector<16xf32>
    %add3A_323 = arith.addf %add3A_315, %add3A_322 : vector<16xf32>
    %mul3A_324 = arith.mulf %scan3A_306#2, %scan3A_306#2 : vector<16xf32>
    %mul3A_325 = arith.mulf %mul3A_288, %mul3A_288 : vector<16xf32>
    %sub3A_326 = arith.subf %mul3A_324, %mul3A_325 : vector<16xf32>
    %mul3A_327 = arith.constant 6.400000e+01 : f32
    %mul3A_328 = vector.broadcast %mul3A_327 : f32 to vector<16xf32>
    %mul3A_329 = arith.mulf %mul3A_328, %sub3A_326 : vector<16xf32>
    %add3A_330 = arith.addf %mul3A_329, %scan3A_284#1 : vector<16xf32>
    %add3A_331 = arith.addf %add3A_323, %add3A_330 : vector<16xf32>
    %mul3A_332 = arith.mulf %scan3A_306#3, %scan3A_306#3 : vector<16xf32>
    %mul3A_333 = arith.mulf %mul3A_299, %mul3A_299 : vector<16xf32>
    %sub3A_334 = arith.subf %mul3A_332, %mul3A_333 : vector<16xf32>
    %mul3A_335 = arith.constant 6.400000e+01 : f32
    %mul3A_336 = vector.broadcast %mul3A_335 : f32 to vector<16xf32>
    %mul3A_337 = arith.mulf %mul3A_336, %sub3A_334 : vector<16xf32>
    %add3A_338 = arith.addf %mul3A_337, %scan3A_295#1 : vector<16xf32>
    %add3A_339 = arith.addf %add3A_331, %add3A_338 : vector<16xf32>
    %broadcast_in_dim3A_340 = arith.constant 0.000000e+00 : f32
    %broadcast_in_dim3A_341 = vector.broadcast %broadcast_in_dim3A_340 : f32 to vector<16xf32>
    %scan3A_342 = arith.constant 0 : i32
    %scan3A_343 = arith.constant 64 : i32
    %scan3A_344 = arith.addi %scan3A_342, %scan3A_343 : i32
    %scan3A_345 = arith.constant 1 : i32
    %scan3A_346:2 = scf.for %scan3A_679 = %scan3A_342 to %scan3A_344 step %scan3A_345 iter_args(%scan3A_680 = %broadcast_in_dim3A_341, %scan3A_681 = %broadcast_in_dim3A_341) -> (vector<16xf32>, vector<16xf32>)  : i32 {
      %get3A = arith.constant 0 : i32
      %get3A_682 = arith.index_cast %get3A : i32 to index
      %get3A_683 = arith.index_cast %scan3A_679 : i32 to index
      %get3A_684 = arith.constant 64 : index
      %get3A_685 = tpu.vector_load %arg5[%get3A_682, %get3A_683, %get3A_684] {strides = array<i32>} : memref<4x64x128xf32, #tpu.memory_space<vmem>>, vector<1x1x16xf32>,
      %get3A_686 = vector.shape_cast %get3A_685 : vector<1x1x16xf32> to vector<16xf32>
      %add3A_687 = arith.addf %scan3A_680, %get3A_686 : vector<16xf32>
      %mul3A_688 = arith.mulf %get3A_686, %get3A_686 : vector<16xf32>
      %add3A_689 = arith.addf %scan3A_681, %mul3A_688 : vector<16xf32>
      scf.yield %add3A_687, %add3A_689 : vector<16xf32>, vector<16xf32>
    }
    %scan3A_347 = arith.constant 64 : i32
    %mul3A_348 = arith.constant 1.562500e-02 : f32
    %mul3A_349 = vector.broadcast %mul3A_348 : f32 to vector<16xf32>
    %mul3A_350 = arith.mulf %scan3A_346#0, %mul3A_349 : vector<16xf32>
    %broadcast_in_dim3A_351 = arith.constant 0.000000e+00 : f32
    %broadcast_in_dim3A_352 = vector.broadcast %broadcast_in_dim3A_351 : f32 to vector<16xf32>
    %scan3A_353 = arith.constant 0 : i32
    %scan3A_354 = arith.constant 64 : i32
    %scan3A_355 = arith.addi %scan3A_353, %scan3A_354 : i32
    %scan3A_356 = arith.constant 1 : i32
    %scan3A_357:2 = scf.for %scan3A_679 = %scan3A_353 to %scan3A_355 step %scan3A_356 iter_args(%scan3A_680 = %broadcast_in_dim3A_352, %scan3A_681 = %broadcast_in_dim3A_352) -> (vector<16xf32>, vector<16xf32>)  : i32 {
      %get3A = arith.constant 1 : i32
      %get3A_682 = arith.index_cast %get3A : i32 to index
      %get3A_683 = arith.index_cast %scan3A_679 : i32 to index
      %get3A_684 = arith.constant 64 : index
      %get3A_685 = tpu.vector_load %arg5[%get3A_682, %get3A_683, %get3A_684] {strides = array<i32>} : memref<4x64x128xf32, #tpu.memory_space<vmem>>, vector<1x1x16xf32>,
      %get3A_686 = vector.shape_cast %get3A_685 : vector<1x1x16xf32> to vector<16xf32>
      %add3A_687 = arith.addf %scan3A_680, %get3A_686 : vector<16xf32>
      %mul3A_688 = arith.mulf %get3A_686, %get3A_686 : vector<16xf32>
      %add3A_689 = arith.addf %scan3A_681, %mul3A_688 : vector<16xf32>
      scf.yield %add3A_687, %add3A_689 : vector<16xf32>, vector<16xf32>
    }
    %scan3A_358 = arith.constant 64 : i32
    %mul3A_359 = arith.constant 1.562500e-02 : f32
    %mul3A_360 = vector.broadcast %mul3A_359 : f32 to vector<16xf32>
    %mul3A_361 = arith.mulf %scan3A_357#0, %mul3A_360 : vector<16xf32>
    %broadcast_in_dim3A_362 = arith.constant 0.000000e+00 : f32
    %broadcast_in_dim3A_363 = vector.broadcast %broadcast_in_dim3A_362 : f32 to vector<16xf32>
    %scan3A_364 = arith.constant 0 : i32
    %scan3A_365 = arith.constant 64 : i32
    %scan3A_366 = arith.addi %scan3A_364, %scan3A_365 : i32
    %scan3A_367 = arith.constant 1 : i32
    %scan3A_368:2 = scf.for %scan3A_679 = %scan3A_364 to %scan3A_366 step %scan3A_367 iter_args(%scan3A_680 = %broadcast_in_dim3A_363, %scan3A_681 = %broadcast_in_dim3A_363) -> (vector<16xf32>, vector<16xf32>)  : i32 {
      %get3A = arith.constant 2 : i32
      %get3A_682 = arith.index_cast %get3A : i32 to index
      %get3A_683 = arith.index_cast %scan3A_679 : i32 to index
      %get3A_684 = arith.constant 64 : index
      %get3A_685 = tpu.vector_load %arg5[%get3A_682, %get3A_683, %get3A_684] {strides = array<i32>} : memref<4x64x128xf32, #tpu.memory_space<vmem>>, vector<1x1x16xf32>,
      %get3A_686 = vector.shape_cast %get3A_685 : vector<1x1x16xf32> to vector<16xf32>
      %add3A_687 = arith.addf %scan3A_680, %get3A_686 : vector<16xf32>
      %mul3A_688 = arith.mulf %get3A_686, %get3A_686 : vector<16xf32>
      %add3A_689 = arith.addf %scan3A_681, %mul3A_688 : vector<16xf32>
      scf.yield %add3A_687, %add3A_689 : vector<16xf32>, vector<16xf32>
    }
    %scan3A_369 = arith.constant 64 : i32
    %mul3A_370 = arith.constant 1.562500e-02 : f32
    %mul3A_371 = vector.broadcast %mul3A_370 : f32 to vector<16xf32>
    %mul3A_372 = arith.mulf %scan3A_368#0, %mul3A_371 : vector<16xf32>
    %broadcast_in_dim3A_373 = arith.constant 0.000000e+00 : f32
    %broadcast_in_dim3A_374 = vector.broadcast %broadcast_in_dim3A_373 : f32 to vector<16xf32>
    %scan3A_375 = arith.constant 0 : i32
    %scan3A_376 = arith.constant 64 : i32
    %scan3A_377 = arith.addi %scan3A_375, %scan3A_376 : i32
    %scan3A_378 = arith.constant 1 : i32
    %scan3A_379:2 = scf.for %scan3A_679 = %scan3A_375 to %scan3A_377 step %scan3A_378 iter_args(%scan3A_680 = %broadcast_in_dim3A_374, %scan3A_681 = %broadcast_in_dim3A_374) -> (vector<16xf32>, vector<16xf32>)  : i32 {
      %get3A = arith.constant 3 : i32
      %get3A_682 = arith.index_cast %get3A : i32 to index
      %get3A_683 = arith.index_cast %scan3A_679 : i32 to index
      %get3A_684 = arith.constant 64 : index
      %get3A_685 = tpu.vector_load %arg5[%get3A_682, %get3A_683, %get3A_684] {strides = array<i32>} : memref<4x64x128xf32, #tpu.memory_space<vmem>>, vector<1x1x16xf32>,
      %get3A_686 = vector.shape_cast %get3A_685 : vector<1x1x16xf32> to vector<16xf32>
      %add3A_687 = arith.addf %scan3A_680, %get3A_686 : vector<16xf32>
      %mul3A_688 = arith.mulf %get3A_686, %get3A_686 : vector<16xf32>
      %add3A_689 = arith.addf %scan3A_681, %mul3A_688 : vector<16xf32>
      scf.yield %add3A_687, %add3A_689 : vector<16xf32>, vector<16xf32>
    }
    %scan3A_380 = arith.constant 64 : i32
    %mul3A_381 = arith.constant 1.562500e-02 : f32
    %mul3A_382 = vector.broadcast %mul3A_381 : f32 to vector<16xf32>
    %mul3A_383 = arith.mulf %scan3A_379#0, %mul3A_382 : vector<16xf32>
    %broadcast_in_dim3A_384 = arith.constant 3.000000e+38 : f32
    %broadcast_in_dim3A_385 = vector.broadcast %broadcast_in_dim3A_384 : f32 to vector<16xf32>
    %scan3A_386 = arith.constant 0 : i32
    %scan3A_387 = arith.constant 256 : i32
    %scan3A_388 = arith.addi %scan3A_386, %scan3A_387 : i32
    %scan3A_389 = arith.constant 1 : i32
    %scan3A_390:4 = scf.for %scan3A_679 = %scan3A_386 to %scan3A_388 step %scan3A_389 iter_args(%scan3A_680 = %broadcast_in_dim3A_385, %scan3A_681 = %broadcast_in_dim3A_385, %scan3A_682 = %broadcast_in_dim3A_385, %scan3A_683 = %broadcast_in_dim3A_385) -> (vector<16xf32>, vector<16xf32>, vector<16xf32>, vector<16xf32>)  : i32 {
      %mul3A_684 = arith.constant 2 : i32
      %mul3A_685 = arith.muli %scan3A_679, %mul3A_684 : i32
      %add3A_686 = arith.constant 0 : i32
      %add3A_687 = arith.addi %mul3A_685, %add3A_686 : i32
      %get3A = arith.index_cast %add3A_687 : i32 to index
      %get3A_688 = arith.constant 64 : index
      %get3A_689 = tpu.vector_load %arg6[%get3A, %get3A_688] {strides = array<i32>} : memref<512x128xf32, #tpu.memory_space<vmem>>, vector<1x16xf32>,
      %get3A_690 = vector.shape_cast %get3A_689 : vector<1x16xf32> to vector<16xf32>
      %sub3A_691 = arith.subf %get3A_690, %mul3A_350 : vector<16xf32>
      %abs3A = math.absf %sub3A_691 : vector<16xf32>
      %min3A = arith.minimumf %scan3A_680, %abs3A : vector<16xf32>
      %sub3A_692 = arith.subf %get3A_690, %mul3A_361 : vector<16xf32>
      %abs3A_693 = math.absf %sub3A_692 : vector<16xf32>
      %min3A_694 = arith.minimumf %scan3A_681, %abs3A_693 : vector<16xf32>
      %sub3A_695 = arith.subf %get3A_690, %mul3A_372 : vector<16xf32>
      %abs3A_696 = math.absf %sub3A_695 : vector<16xf32>
      %min3A_697 = arith.minimumf %scan3A_682, %abs3A_696 : vector<16xf32>
      %sub3A_698 = arith.subf %get3A_690, %mul3A_383 : vector<16xf32>
      %abs3A_699 = math.absf %sub3A_698 : vector<16xf32>
      %min3A_700 = arith.minimumf %scan3A_683, %abs3A_699 : vector<16xf32>
      %mul3A_701 = arith.constant 2 : i32
      %mul3A_702 = arith.muli %scan3A_679, %mul3A_701 : i32
      %add3A_703 = arith.constant 1 : i32
      %add3A_704 = arith.addi %mul3A_702, %add3A_703 : i32
      %get3A_705 = arith.index_cast %add3A_704 : i32 to index
      %get3A_706 = arith.constant 64 : index
      %get3A_707 = tpu.vector_load %arg6[%get3A_705, %get3A_706] {strides = array<i32>} : memref<512x128xf32, #tpu.memory_space<vmem>>, vector<1x16xf32>,
      %get3A_708 = vector.shape_cast %get3A_707 : vector<1x16xf32> to vector<16xf32>
      %sub3A_709 = arith.subf %get3A_708, %mul3A_350 : vector<16xf32>
      %abs3A_710 = math.absf %sub3A_709 : vector<16xf32>
      %min3A_711 = arith.minimumf %min3A, %abs3A_710 : vector<16xf32>
      %sub3A_712 = arith.subf %get3A_708, %mul3A_361 : vector<16xf32>
      %abs3A_713 = math.absf %sub3A_712 : vector<16xf32>
      %min3A_714 = arith.minimumf %min3A_694, %abs3A_713 : vector<16xf32>
      %sub3A_715 = arith.subf %get3A_708, %mul3A_372 : vector<16xf32>
      %abs3A_716 = math.absf %sub3A_715 : vector<16xf32>
      %min3A_717 = arith.minimumf %min3A_697, %abs3A_716 : vector<16xf32>
      %sub3A_718 = arith.subf %get3A_708, %mul3A_383 : vector<16xf32>
      %abs3A_719 = math.absf %sub3A_718 : vector<16xf32>
      %min3A_720 = arith.minimumf %min3A_700, %abs3A_719 : vector<16xf32>
      scf.yield %min3A_711, %min3A_714, %min3A_717, %min3A_720 : vector<16xf32>, vector<16xf32>, vector<16xf32>, vector<16xf32>
    }
    %scan3A_391 = arith.constant 256 : i32
    %mul3A_392 = arith.mulf %scan3A_390#0, %scan3A_390#0 : vector<16xf32>
    %mul3A_393 = arith.mulf %mul3A_350, %mul3A_350 : vector<16xf32>
    %sub3A_394 = arith.subf %mul3A_392, %mul3A_393 : vector<16xf32>
    %mul3A_395 = arith.constant 6.400000e+01 : f32
    %mul3A_396 = vector.broadcast %mul3A_395 : f32 to vector<16xf32>
    %mul3A_397 = arith.mulf %mul3A_396, %sub3A_394 : vector<16xf32>
    %add3A_398 = arith.addf %mul3A_397, %scan3A_346#1 : vector<16xf32>
    %add3A_399 = arith.addf %add3A_339, %add3A_398 : vector<16xf32>
    %mul3A_400 = arith.mulf %scan3A_390#1, %scan3A_390#1 : vector<16xf32>
    %mul3A_401 = arith.mulf %mul3A_361, %mul3A_361 : vector<16xf32>
    %sub3A_402 = arith.subf %mul3A_400, %mul3A_401 : vector<16xf32>
    %mul3A_403 = arith.constant 6.400000e+01 : f32
    %mul3A_404 = vector.broadcast %mul3A_403 : f32 to vector<16xf32>
    %mul3A_405 = arith.mulf %mul3A_404, %sub3A_402 : vector<16xf32>
    %add3A_406 = arith.addf %mul3A_405, %scan3A_357#1 : vector<16xf32>
    %add3A_407 = arith.addf %add3A_399, %add3A_406 : vector<16xf32>
    %mul3A_408 = arith.mulf %scan3A_390#2, %scan3A_390#2 : vector<16xf32>
    %mul3A_409 = arith.mulf %mul3A_372, %mul3A_372 : vector<16xf32>
    %sub3A_410 = arith.subf %mul3A_408, %mul3A_409 : vector<16xf32>
    %mul3A_411 = arith.constant 6.400000e+01 : f32
    %mul3A_412 = vector.broadcast %mul3A_411 : f32 to vector<16xf32>
    %mul3A_413 = arith.mulf %mul3A_412, %sub3A_410 : vector<16xf32>
    %add3A_414 = arith.addf %mul3A_413, %scan3A_368#1 : vector<16xf32>
    %add3A_415 = arith.addf %add3A_407, %add3A_414 : vector<16xf32>
    %mul3A_416 = arith.mulf %scan3A_390#3, %scan3A_390#3 : vector<16xf32>
    %mul3A_417 = arith.mulf %mul3A_383, %mul3A_383 : vector<16xf32>
    %sub3A_418 = arith.subf %mul3A_416, %mul3A_417 : vector<16xf32>
    %mul3A_419 = arith.constant 6.400000e+01 : f32
    %mul3A_420 = vector.broadcast %mul3A_419 : f32 to vector<16xf32>
    %mul3A_421 = arith.mulf %mul3A_420, %sub3A_418 : vector<16xf32>
    %add3A_422 = arith.addf %mul3A_421, %scan3A_379#1 : vector<16xf32>
    %add3A_423 = arith.addf %add3A_415, %add3A_422 : vector<16xf32>
    %broadcast_in_dim3A_424 = arith.constant 0.000000e+00 : f32
    %broadcast_in_dim3A_425 = vector.broadcast %broadcast_in_dim3A_424 : f32 to vector<16xf32>
    %scan3A_426 = arith.constant 0 : i32
    %scan3A_427 = arith.constant 64 : i32
    %scan3A_428 = arith.addi %scan3A_426, %scan3A_427 : i32
    %scan3A_429 = arith.constant 1 : i32
    %scan3A_430:2 = scf.for %scan3A_679 = %scan3A_426 to %scan3A_428 step %scan3A_429 iter_args(%scan3A_680 = %broadcast_in_dim3A_425, %scan3A_681 = %broadcast_in_dim3A_425) -> (vector<16xf32>, vector<16xf32>)  : i32 {
      %get3A = arith.constant 0 : i32
      %get3A_682 = arith.index_cast %get3A : i32 to index
      %get3A_683 = arith.index_cast %scan3A_679 : i32 to index
      %get3A_684 = arith.constant 80 : index
      %get3A_685 = tpu.vector_load %arg5[%get3A_682, %get3A_683, %get3A_684] {strides = array<i32>} : memref<4x64x128xf32, #tpu.memory_space<vmem>>, vector<1x1x16xf32>,
      %get3A_686 = vector.shape_cast %get3A_685 : vector<1x1x16xf32> to vector<16xf32>
      %add3A_687 = arith.addf %scan3A_680, %get3A_686 : vector<16xf32>
      %mul3A_688 = arith.mulf %get3A_686, %get3A_686 : vector<16xf32>
      %add3A_689 = arith.addf %scan3A_681, %mul3A_688 : vector<16xf32>
      scf.yield %add3A_687, %add3A_689 : vector<16xf32>, vector<16xf32>
    }
    %scan3A_431 = arith.constant 64 : i32
    %mul3A_432 = arith.constant 1.562500e-02 : f32
    %mul3A_433 = vector.broadcast %mul3A_432 : f32 to vector<16xf32>
    %mul3A_434 = arith.mulf %scan3A_430#0, %mul3A_433 : vector<16xf32>
    %broadcast_in_dim3A_435 = arith.constant 0.000000e+00 : f32
    %broadcast_in_dim3A_436 = vector.broadcast %broadcast_in_dim3A_435 : f32 to vector<16xf32>
    %scan3A_437 = arith.constant 0 : i32
    %scan3A_438 = arith.constant 64 : i32
    %scan3A_439 = arith.addi %scan3A_437, %scan3A_438 : i32
    %scan3A_440 = arith.constant 1 : i32
    %scan3A_441:2 = scf.for %scan3A_679 = %scan3A_437 to %scan3A_439 step %scan3A_440 iter_args(%scan3A_680 = %broadcast_in_dim3A_436, %scan3A_681 = %broadcast_in_dim3A_436) -> (vector<16xf32>, vector<16xf32>)  : i32 {
      %get3A = arith.constant 1 : i32
      %get3A_682 = arith.index_cast %get3A : i32 to index
      %get3A_683 = arith.index_cast %scan3A_679 : i32 to index
      %get3A_684 = arith.constant 80 : index
      %get3A_685 = tpu.vector_load %arg5[%get3A_682, %get3A_683, %get3A_684] {strides = array<i32>} : memref<4x64x128xf32, #tpu.memory_space<vmem>>, vector<1x1x16xf32>,
      %get3A_686 = vector.shape_cast %get3A_685 : vector<1x1x16xf32> to vector<16xf32>
      %add3A_687 = arith.addf %scan3A_680, %get3A_686 : vector<16xf32>
      %mul3A_688 = arith.mulf %get3A_686, %get3A_686 : vector<16xf32>
      %add3A_689 = arith.addf %scan3A_681, %mul3A_688 : vector<16xf32>
      scf.yield %add3A_687, %add3A_689 : vector<16xf32>, vector<16xf32>
    }
    %scan3A_442 = arith.constant 64 : i32
    %mul3A_443 = arith.constant 1.562500e-02 : f32
    %mul3A_444 = vector.broadcast %mul3A_443 : f32 to vector<16xf32>
    %mul3A_445 = arith.mulf %scan3A_441#0, %mul3A_444 : vector<16xf32>
    %broadcast_in_dim3A_446 = arith.constant 0.000000e+00 : f32
    %broadcast_in_dim3A_447 = vector.broadcast %broadcast_in_dim3A_446 : f32 to vector<16xf32>
    %scan3A_448 = arith.constant 0 : i32
    %scan3A_449 = arith.constant 64 : i32
    %scan3A_450 = arith.addi %scan3A_448, %scan3A_449 : i32
    %scan3A_451 = arith.constant 1 : i32
    %scan3A_452:2 = scf.for %scan3A_679 = %scan3A_448 to %scan3A_450 step %scan3A_451 iter_args(%scan3A_680 = %broadcast_in_dim3A_447, %scan3A_681 = %broadcast_in_dim3A_447) -> (vector<16xf32>, vector<16xf32>)  : i32 {
      %get3A = arith.constant 2 : i32
      %get3A_682 = arith.index_cast %get3A : i32 to index
      %get3A_683 = arith.index_cast %scan3A_679 : i32 to index
      %get3A_684 = arith.constant 80 : index
      %get3A_685 = tpu.vector_load %arg5[%get3A_682, %get3A_683, %get3A_684] {strides = array<i32>} : memref<4x64x128xf32, #tpu.memory_space<vmem>>, vector<1x1x16xf32>,
      %get3A_686 = vector.shape_cast %get3A_685 : vector<1x1x16xf32> to vector<16xf32>
      %add3A_687 = arith.addf %scan3A_680, %get3A_686 : vector<16xf32>
      %mul3A_688 = arith.mulf %get3A_686, %get3A_686 : vector<16xf32>
      %add3A_689 = arith.addf %scan3A_681, %mul3A_688 : vector<16xf32>
      scf.yield %add3A_687, %add3A_689 : vector<16xf32>, vector<16xf32>
    }
    %scan3A_453 = arith.constant 64 : i32
    %mul3A_454 = arith.constant 1.562500e-02 : f32
    %mul3A_455 = vector.broadcast %mul3A_454 : f32 to vector<16xf32>
    %mul3A_456 = arith.mulf %scan3A_452#0, %mul3A_455 : vector<16xf32>
    %broadcast_in_dim3A_457 = arith.constant 0.000000e+00 : f32
    %broadcast_in_dim3A_458 = vector.broadcast %broadcast_in_dim3A_457 : f32 to vector<16xf32>
    %scan3A_459 = arith.constant 0 : i32
    %scan3A_460 = arith.constant 64 : i32
    %scan3A_461 = arith.addi %scan3A_459, %scan3A_460 : i32
    %scan3A_462 = arith.constant 1 : i32
    %scan3A_463:2 = scf.for %scan3A_679 = %scan3A_459 to %scan3A_461 step %scan3A_462 iter_args(%scan3A_680 = %broadcast_in_dim3A_458, %scan3A_681 = %broadcast_in_dim3A_458) -> (vector<16xf32>, vector<16xf32>)  : i32 {
      %get3A = arith.constant 3 : i32
      %get3A_682 = arith.index_cast %get3A : i32 to index
      %get3A_683 = arith.index_cast %scan3A_679 : i32 to index
      %get3A_684 = arith.constant 80 : index
      %get3A_685 = tpu.vector_load %arg5[%get3A_682, %get3A_683, %get3A_684] {strides = array<i32>} : memref<4x64x128xf32, #tpu.memory_space<vmem>>, vector<1x1x16xf32>,
      %get3A_686 = vector.shape_cast %get3A_685 : vector<1x1x16xf32> to vector<16xf32>
      %add3A_687 = arith.addf %scan3A_680, %get3A_686 : vector<16xf32>
      %mul3A_688 = arith.mulf %get3A_686, %get3A_686 : vector<16xf32>
      %add3A_689 = arith.addf %scan3A_681, %mul3A_688 : vector<16xf32>
      scf.yield %add3A_687, %add3A_689 : vector<16xf32>, vector<16xf32>
    }
    %scan3A_464 = arith.constant 64 : i32
    %mul3A_465 = arith.constant 1.562500e-02 : f32
    %mul3A_466 = vector.broadcast %mul3A_465 : f32 to vector<16xf32>
    %mul3A_467 = arith.mulf %scan3A_463#0, %mul3A_466 : vector<16xf32>
    %broadcast_in_dim3A_468 = arith.constant 3.000000e+38 : f32
    %broadcast_in_dim3A_469 = vector.broadcast %broadcast_in_dim3A_468 : f32 to vector<16xf32>
    %scan3A_470 = arith.constant 0 : i32
    %scan3A_471 = arith.constant 256 : i32
    %scan3A_472 = arith.addi %scan3A_470, %scan3A_471 : i32
    %scan3A_473 = arith.constant 1 : i32
    %scan3A_474:4 = scf.for %scan3A_679 = %scan3A_470 to %scan3A_472 step %scan3A_473 iter_args(%scan3A_680 = %broadcast_in_dim3A_469, %scan3A_681 = %broadcast_in_dim3A_469, %scan3A_682 = %broadcast_in_dim3A_469, %scan3A_683 = %broadcast_in_dim3A_469) -> (vector<16xf32>, vector<16xf32>, vector<16xf32>, vector<16xf32>)  : i32 {
      %mul3A_684 = arith.constant 2 : i32
      %mul3A_685 = arith.muli %scan3A_679, %mul3A_684 : i32
      %add3A_686 = arith.constant 0 : i32
      %add3A_687 = arith.addi %mul3A_685, %add3A_686 : i32
      %get3A = arith.index_cast %add3A_687 : i32 to index
      %get3A_688 = arith.constant 80 : index
      %get3A_689 = tpu.vector_load %arg6[%get3A, %get3A_688] {strides = array<i32>} : memref<512x128xf32, #tpu.memory_space<vmem>>, vector<1x16xf32>,
      %get3A_690 = vector.shape_cast %get3A_689 : vector<1x16xf32> to vector<16xf32>
      %sub3A_691 = arith.subf %get3A_690, %mul3A_434 : vector<16xf32>
      %abs3A = math.absf %sub3A_691 : vector<16xf32>
      %min3A = arith.minimumf %scan3A_680, %abs3A : vector<16xf32>
      %sub3A_692 = arith.subf %get3A_690, %mul3A_445 : vector<16xf32>
      %abs3A_693 = math.absf %sub3A_692 : vector<16xf32>
      %min3A_694 = arith.minimumf %scan3A_681, %abs3A_693 : vector<16xf32>
      %sub3A_695 = arith.subf %get3A_690, %mul3A_456 : vector<16xf32>
      %abs3A_696 = math.absf %sub3A_695 : vector<16xf32>
      %min3A_697 = arith.minimumf %scan3A_682, %abs3A_696 : vector<16xf32>
      %sub3A_698 = arith.subf %get3A_690, %mul3A_467 : vector<16xf32>
      %abs3A_699 = math.absf %sub3A_698 : vector<16xf32>
      %min3A_700 = arith.minimumf %scan3A_683, %abs3A_699 : vector<16xf32>
      %mul3A_701 = arith.constant 2 : i32
      %mul3A_702 = arith.muli %scan3A_679, %mul3A_701 : i32
      %add3A_703 = arith.constant 1 : i32
      %add3A_704 = arith.addi %mul3A_702, %add3A_703 : i32
      %get3A_705 = arith.index_cast %add3A_704 : i32 to index
      %get3A_706 = arith.constant 80 : index
      %get3A_707 = tpu.vector_load %arg6[%get3A_705, %get3A_706] {strides = array<i32>} : memref<512x128xf32, #tpu.memory_space<vmem>>, vector<1x16xf32>,
      %get3A_708 = vector.shape_cast %get3A_707 : vector<1x16xf32> to vector<16xf32>
      %sub3A_709 = arith.subf %get3A_708, %mul3A_434 : vector<16xf32>
      %abs3A_710 = math.absf %sub3A_709 : vector<16xf32>
      %min3A_711 = arith.minimumf %min3A, %abs3A_710 : vector<16xf32>
      %sub3A_712 = arith.subf %get3A_708, %mul3A_445 : vector<16xf32>
      %abs3A_713 = math.absf %sub3A_712 : vector<16xf32>
      %min3A_714 = arith.minimumf %min3A_694, %abs3A_713 : vector<16xf32>
      %sub3A_715 = arith.subf %get3A_708, %mul3A_456 : vector<16xf32>
      %abs3A_716 = math.absf %sub3A_715 : vector<16xf32>
      %min3A_717 = arith.minimumf %min3A_697, %abs3A_716 : vector<16xf32>
      %sub3A_718 = arith.subf %get3A_708, %mul3A_467 : vector<16xf32>
      %abs3A_719 = math.absf %sub3A_718 : vector<16xf32>
      %min3A_720 = arith.minimumf %min3A_700, %abs3A_719 : vector<16xf32>
      scf.yield %min3A_711, %min3A_714, %min3A_717, %min3A_720 : vector<16xf32>, vector<16xf32>, vector<16xf32>, vector<16xf32>
    }
    %scan3A_475 = arith.constant 256 : i32
    %mul3A_476 = arith.mulf %scan3A_474#0, %scan3A_474#0 : vector<16xf32>
    %mul3A_477 = arith.mulf %mul3A_434, %mul3A_434 : vector<16xf32>
    %sub3A_478 = arith.subf %mul3A_476, %mul3A_477 : vector<16xf32>
    %mul3A_479 = arith.constant 6.400000e+01 : f32
    %mul3A_480 = vector.broadcast %mul3A_479 : f32 to vector<16xf32>
    %mul3A_481 = arith.mulf %mul3A_480, %sub3A_478 : vector<16xf32>
    %add3A_482 = arith.addf %mul3A_481, %scan3A_430#1 : vector<16xf32>
    %add3A_483 = arith.addf %add3A_423, %add3A_482 : vector<16xf32>
    %mul3A_484 = arith.mulf %scan3A_474#1, %scan3A_474#1 : vector<16xf32>
    %mul3A_485 = arith.mulf %mul3A_445, %mul3A_445 : vector<16xf32>
    %sub3A_486 = arith.subf %mul3A_484, %mul3A_485 : vector<16xf32>
    %mul3A_487 = arith.constant 6.400000e+01 : f32
    %mul3A_488 = vector.broadcast %mul3A_487 : f32 to vector<16xf32>
    %mul3A_489 = arith.mulf %mul3A_488, %sub3A_486 : vector<16xf32>
    %add3A_490 = arith.addf %mul3A_489, %scan3A_441#1 : vector<16xf32>
    %add3A_491 = arith.addf %add3A_483, %add3A_490 : vector<16xf32>
    %mul3A_492 = arith.mulf %scan3A_474#2, %scan3A_474#2 : vector<16xf32>
    %mul3A_493 = arith.mulf %mul3A_456, %mul3A_456 : vector<16xf32>
    %sub3A_494 = arith.subf %mul3A_492, %mul3A_493 : vector<16xf32>
    %mul3A_495 = arith.constant 6.400000e+01 : f32
    %mul3A_496 = vector.broadcast %mul3A_495 : f32 to vector<16xf32>
    %mul3A_497 = arith.mulf %mul3A_496, %sub3A_494 : vector<16xf32>
    %add3A_498 = arith.addf %mul3A_497, %scan3A_452#1 : vector<16xf32>
    %add3A_499 = arith.addf %add3A_491, %add3A_498 : vector<16xf32>
    %mul3A_500 = arith.mulf %scan3A_474#3, %scan3A_474#3 : vector<16xf32>
    %mul3A_501 = arith.mulf %mul3A_467, %mul3A_467 : vector<16xf32>
    %sub3A_502 = arith.subf %mul3A_500, %mul3A_501 : vector<16xf32>
    %mul3A_503 = arith.constant 6.400000e+01 : f32
    %mul3A_504 = vector.broadcast %mul3A_503 : f32 to vector<16xf32>
    %mul3A_505 = arith.mulf %mul3A_504, %sub3A_502 : vector<16xf32>
    %add3A_506 = arith.addf %mul3A_505, %scan3A_463#1 : vector<16xf32>
    %add3A_507 = arith.addf %add3A_499, %add3A_506 : vector<16xf32>
    %broadcast_in_dim3A_508 = arith.constant 0.000000e+00 : f32
    %broadcast_in_dim3A_509 = vector.broadcast %broadcast_in_dim3A_508 : f32 to vector<16xf32>
    %scan3A_510 = arith.constant 0 : i32
    %scan3A_511 = arith.constant 64 : i32
    %scan3A_512 = arith.addi %scan3A_510, %scan3A_511 : i32
    %scan3A_513 = arith.constant 1 : i32
    %scan3A_514:2 = scf.for %scan3A_679 = %scan3A_510 to %scan3A_512 step %scan3A_513 iter_args(%scan3A_680 = %broadcast_in_dim3A_509, %scan3A_681 = %broadcast_in_dim3A_509) -> (vector<16xf32>, vector<16xf32>)  : i32 {
      %get3A = arith.constant 0 : i32
      %get3A_682 = arith.index_cast %get3A : i32 to index
      %get3A_683 = arith.index_cast %scan3A_679 : i32 to index
      %get3A_684 = arith.constant 96 : index
      %get3A_685 = tpu.vector_load %arg5[%get3A_682, %get3A_683, %get3A_684] {strides = array<i32>} : memref<4x64x128xf32, #tpu.memory_space<vmem>>, vector<1x1x16xf32>,
      %get3A_686 = vector.shape_cast %get3A_685 : vector<1x1x16xf32> to vector<16xf32>
      %add3A_687 = arith.addf %scan3A_680, %get3A_686 : vector<16xf32>
      %mul3A_688 = arith.mulf %get3A_686, %get3A_686 : vector<16xf32>
      %add3A_689 = arith.addf %scan3A_681, %mul3A_688 : vector<16xf32>
      scf.yield %add3A_687, %add3A_689 : vector<16xf32>, vector<16xf32>
    }
    %scan3A_515 = arith.constant 64 : i32
    %mul3A_516 = arith.constant 1.562500e-02 : f32
    %mul3A_517 = vector.broadcast %mul3A_516 : f32 to vector<16xf32>
    %mul3A_518 = arith.mulf %scan3A_514#0, %mul3A_517 : vector<16xf32>
    %broadcast_in_dim3A_519 = arith.constant 0.000000e+00 : f32
    %broadcast_in_dim3A_520 = vector.broadcast %broadcast_in_dim3A_519 : f32 to vector<16xf32>
    %scan3A_521 = arith.constant 0 : i32
    %scan3A_522 = arith.constant 64 : i32
    %scan3A_523 = arith.addi %scan3A_521, %scan3A_522 : i32
    %scan3A_524 = arith.constant 1 : i32
    %scan3A_525:2 = scf.for %scan3A_679 = %scan3A_521 to %scan3A_523 step %scan3A_524 iter_args(%scan3A_680 = %broadcast_in_dim3A_520, %scan3A_681 = %broadcast_in_dim3A_520) -> (vector<16xf32>, vector<16xf32>)  : i32 {
      %get3A = arith.constant 1 : i32
      %get3A_682 = arith.index_cast %get3A : i32 to index
      %get3A_683 = arith.index_cast %scan3A_679 : i32 to index
      %get3A_684 = arith.constant 96 : index
      %get3A_685 = tpu.vector_load %arg5[%get3A_682, %get3A_683, %get3A_684] {strides = array<i32>} : memref<4x64x128xf32, #tpu.memory_space<vmem>>, vector<1x1x16xf32>,
      %get3A_686 = vector.shape_cast %get3A_685 : vector<1x1x16xf32> to vector<16xf32>
      %add3A_687 = arith.addf %scan3A_680, %get3A_686 : vector<16xf32>
      %mul3A_688 = arith.mulf %get3A_686, %get3A_686 : vector<16xf32>
      %add3A_689 = arith.addf %scan3A_681, %mul3A_688 : vector<16xf32>
      scf.yield %add3A_687, %add3A_689 : vector<16xf32>, vector<16xf32>
    }
    %scan3A_526 = arith.constant 64 : i32
    %mul3A_527 = arith.constant 1.562500e-02 : f32
    %mul3A_528 = vector.broadcast %mul3A_527 : f32 to vector<16xf32>
    %mul3A_529 = arith.mulf %scan3A_525#0, %mul3A_528 : vector<16xf32>
    %broadcast_in_dim3A_530 = arith.constant 0.000000e+00 : f32
    %broadcast_in_dim3A_531 = vector.broadcast %broadcast_in_dim3A_530 : f32 to vector<16xf32>
    %scan3A_532 = arith.constant 0 : i32
    %scan3A_533 = arith.constant 64 : i32
    %scan3A_534 = arith.addi %scan3A_532, %scan3A_533 : i32
    %scan3A_535 = arith.constant 1 : i32
    %scan3A_536:2 = scf.for %scan3A_679 = %scan3A_532 to %scan3A_534 step %scan3A_535 iter_args(%scan3A_680 = %broadcast_in_dim3A_531, %scan3A_681 = %broadcast_in_dim3A_531) -> (vector<16xf32>, vector<16xf32>)  : i32 {
      %get3A = arith.constant 2 : i32
      %get3A_682 = arith.index_cast %get3A : i32 to index
      %get3A_683 = arith.index_cast %scan3A_679 : i32 to index
      %get3A_684 = arith.constant 96 : index
      %get3A_685 = tpu.vector_load %arg5[%get3A_682, %get3A_683, %get3A_684] {strides = array<i32>} : memref<4x64x128xf32, #tpu.memory_space<vmem>>, vector<1x1x16xf32>,
      %get3A_686 = vector.shape_cast %get3A_685 : vector<1x1x16xf32> to vector<16xf32>
      %add3A_687 = arith.addf %scan3A_680, %get3A_686 : vector<16xf32>
      %mul3A_688 = arith.mulf %get3A_686, %get3A_686 : vector<16xf32>
      %add3A_689 = arith.addf %scan3A_681, %mul3A_688 : vector<16xf32>
      scf.yield %add3A_687, %add3A_689 : vector<16xf32>, vector<16xf32>
    }
    %scan3A_537 = arith.constant 64 : i32
    %mul3A_538 = arith.constant 1.562500e-02 : f32
    %mul3A_539 = vector.broadcast %mul3A_538 : f32 to vector<16xf32>
    %mul3A_540 = arith.mulf %scan3A_536#0, %mul3A_539 : vector<16xf32>
    %broadcast_in_dim3A_541 = arith.constant 0.000000e+00 : f32
    %broadcast_in_dim3A_542 = vector.broadcast %broadcast_in_dim3A_541 : f32 to vector<16xf32>
    %scan3A_543 = arith.constant 0 : i32
    %scan3A_544 = arith.constant 64 : i32
    %scan3A_545 = arith.addi %scan3A_543, %scan3A_544 : i32
    %scan3A_546 = arith.constant 1 : i32
    %scan3A_547:2 = scf.for %scan3A_679 = %scan3A_543 to %scan3A_545 step %scan3A_546 iter_args(%scan3A_680 = %broadcast_in_dim3A_542, %scan3A_681 = %broadcast_in_dim3A_542) -> (vector<16xf32>, vector<16xf32>)  : i32 {
      %get3A = arith.constant 3 : i32
      %get3A_682 = arith.index_cast %get3A : i32 to index
      %get3A_683 = arith.index_cast %scan3A_679 : i32 to index
      %get3A_684 = arith.constant 96 : index
      %get3A_685 = tpu.vector_load %arg5[%get3A_682, %get3A_683, %get3A_684] {strides = array<i32>} : memref<4x64x128xf32, #tpu.memory_space<vmem>>, vector<1x1x16xf32>,
      %get3A_686 = vector.shape_cast %get3A_685 : vector<1x1x16xf32> to vector<16xf32>
      %add3A_687 = arith.addf %scan3A_680, %get3A_686 : vector<16xf32>
      %mul3A_688 = arith.mulf %get3A_686, %get3A_686 : vector<16xf32>
      %add3A_689 = arith.addf %scan3A_681, %mul3A_688 : vector<16xf32>
      scf.yield %add3A_687, %add3A_689 : vector<16xf32>, vector<16xf32>
    }
    %scan3A_548 = arith.constant 64 : i32
    %mul3A_549 = arith.constant 1.562500e-02 : f32
    %mul3A_550 = vector.broadcast %mul3A_549 : f32 to vector<16xf32>
    %mul3A_551 = arith.mulf %scan3A_547#0, %mul3A_550 : vector<16xf32>
    %broadcast_in_dim3A_552 = arith.constant 3.000000e+38 : f32
    %broadcast_in_dim3A_553 = vector.broadcast %broadcast_in_dim3A_552 : f32 to vector<16xf32>
    %scan3A_554 = arith.constant 0 : i32
    %scan3A_555 = arith.constant 256 : i32
    %scan3A_556 = arith.addi %scan3A_554, %scan3A_555 : i32
    %scan3A_557 = arith.constant 1 : i32
    %scan3A_558:4 = scf.for %scan3A_679 = %scan3A_554 to %scan3A_556 step %scan3A_557 iter_args(%scan3A_680 = %broadcast_in_dim3A_553, %scan3A_681 = %broadcast_in_dim3A_553, %scan3A_682 = %broadcast_in_dim3A_553, %scan3A_683 = %broadcast_in_dim3A_553) -> (vector<16xf32>, vector<16xf32>, vector<16xf32>, vector<16xf32>)  : i32 {
      %mul3A_684 = arith.constant 2 : i32
      %mul3A_685 = arith.muli %scan3A_679, %mul3A_684 : i32
      %add3A_686 = arith.constant 0 : i32
      %add3A_687 = arith.addi %mul3A_685, %add3A_686 : i32
      %get3A = arith.index_cast %add3A_687 : i32 to index
      %get3A_688 = arith.constant 96 : index
      %get3A_689 = tpu.vector_load %arg6[%get3A, %get3A_688] {strides = array<i32>} : memref<512x128xf32, #tpu.memory_space<vmem>>, vector<1x16xf32>,
      %get3A_690 = vector.shape_cast %get3A_689 : vector<1x16xf32> to vector<16xf32>
      %sub3A_691 = arith.subf %get3A_690, %mul3A_518 : vector<16xf32>
      %abs3A = math.absf %sub3A_691 : vector<16xf32>
      %min3A = arith.minimumf %scan3A_680, %abs3A : vector<16xf32>
      %sub3A_692 = arith.subf %get3A_690, %mul3A_529 : vector<16xf32>
      %abs3A_693 = math.absf %sub3A_692 : vector<16xf32>
      %min3A_694 = arith.minimumf %scan3A_681, %abs3A_693 : vector<16xf32>
      %sub3A_695 = arith.subf %get3A_690, %mul3A_540 : vector<16xf32>
      %abs3A_696 = math.absf %sub3A_695 : vector<16xf32>
      %min3A_697 = arith.minimumf %scan3A_682, %abs3A_696 : vector<16xf32>
      %sub3A_698 = arith.subf %get3A_690, %mul3A_551 : vector<16xf32>
      %abs3A_699 = math.absf %sub3A_698 : vector<16xf32>
      %min3A_700 = arith.minimumf %scan3A_683, %abs3A_699 : vector<16xf32>
      %mul3A_701 = arith.constant 2 : i32
      %mul3A_702 = arith.muli %scan3A_679, %mul3A_701 : i32
      %add3A_703 = arith.constant 1 : i32
      %add3A_704 = arith.addi %mul3A_702, %add3A_703 : i32
      %get3A_705 = arith.index_cast %add3A_704 : i32 to index
      %get3A_706 = arith.constant 96 : index
      %get3A_707 = tpu.vector_load %arg6[%get3A_705, %get3A_706] {strides = array<i32>} : memref<512x128xf32, #tpu.memory_space<vmem>>, vector<1x16xf32>,
      %get3A_708 = vector.shape_cast %get3A_707 : vector<1x16xf32> to vector<16xf32>
      %sub3A_709 = arith.subf %get3A_708, %mul3A_518 : vector<16xf32>
      %abs3A_710 = math.absf %sub3A_709 : vector<16xf32>
      %min3A_711 = arith.minimumf %min3A, %abs3A_710 : vector<16xf32>
      %sub3A_712 = arith.subf %get3A_708, %mul3A_529 : vector<16xf32>
      %abs3A_713 = math.absf %sub3A_712 : vector<16xf32>
      %min3A_714 = arith.minimumf %min3A_694, %abs3A_713 : vector<16xf32>
      %sub3A_715 = arith.subf %get3A_708, %mul3A_540 : vector<16xf32>
      %abs3A_716 = math.absf %sub3A_715 : vector<16xf32>
      %min3A_717 = arith.minimumf %min3A_697, %abs3A_716 : vector<16xf32>
      %sub3A_718 = arith.subf %get3A_708, %mul3A_551 : vector<16xf32>
      %abs3A_719 = math.absf %sub3A_718 : vector<16xf32>
      %min3A_720 = arith.minimumf %min3A_700, %abs3A_719 : vector<16xf32>
      scf.yield %min3A_711, %min3A_714, %min3A_717, %min3A_720 : vector<16xf32>, vector<16xf32>, vector<16xf32>, vector<16xf32>
    }
    %scan3A_559 = arith.constant 256 : i32
    %mul3A_560 = arith.mulf %scan3A_558#0, %scan3A_558#0 : vector<16xf32>
    %mul3A_561 = arith.mulf %mul3A_518, %mul3A_518 : vector<16xf32>
    %sub3A_562 = arith.subf %mul3A_560, %mul3A_561 : vector<16xf32>
    %mul3A_563 = arith.constant 6.400000e+01 : f32
    %mul3A_564 = vector.broadcast %mul3A_563 : f32 to vector<16xf32>
    %mul3A_565 = arith.mulf %mul3A_564, %sub3A_562 : vector<16xf32>
    %add3A_566 = arith.addf %mul3A_565, %scan3A_514#1 : vector<16xf32>
    %add3A_567 = arith.addf %add3A_507, %add3A_566 : vector<16xf32>
    %mul3A_568 = arith.mulf %scan3A_558#1, %scan3A_558#1 : vector<16xf32>
    %mul3A_569 = arith.mulf %mul3A_529, %mul3A_529 : vector<16xf32>
    %sub3A_570 = arith.subf %mul3A_568, %mul3A_569 : vector<16xf32>
    %mul3A_571 = arith.constant 6.400000e+01 : f32
    %mul3A_572 = vector.broadcast %mul3A_571 : f32 to vector<16xf32>
    %mul3A_573 = arith.mulf %mul3A_572, %sub3A_570 : vector<16xf32>
    %add3A_574 = arith.addf %mul3A_573, %scan3A_525#1 : vector<16xf32>
    %add3A_575 = arith.addf %add3A_567, %add3A_574 : vector<16xf32>
    %mul3A_576 = arith.mulf %scan3A_558#2, %scan3A_558#2 : vector<16xf32>
    %mul3A_577 = arith.mulf %mul3A_540, %mul3A_540 : vector<16xf32>
    %sub3A_578 = arith.subf %mul3A_576, %mul3A_577 : vector<16xf32>
    %mul3A_579 = arith.constant 6.400000e+01 : f32
    %mul3A_580 = vector.broadcast %mul3A_579 : f32 to vector<16xf32>
    %mul3A_581 = arith.mulf %mul3A_580, %sub3A_578 : vector<16xf32>
    %add3A_582 = arith.addf %mul3A_581, %scan3A_536#1 : vector<16xf32>
    %add3A_583 = arith.addf %add3A_575, %add3A_582 : vector<16xf32>
    %mul3A_584 = arith.mulf %scan3A_558#3, %scan3A_558#3 : vector<16xf32>
    %mul3A_585 = arith.mulf %mul3A_551, %mul3A_551 : vector<16xf32>
    %sub3A_586 = arith.subf %mul3A_584, %mul3A_585 : vector<16xf32>
    %mul3A_587 = arith.constant 6.400000e+01 : f32
    %mul3A_588 = vector.broadcast %mul3A_587 : f32 to vector<16xf32>
    %mul3A_589 = arith.mulf %mul3A_588, %sub3A_586 : vector<16xf32>
    %add3A_590 = arith.addf %mul3A_589, %scan3A_547#1 : vector<16xf32>
    %add3A_591 = arith.addf %add3A_583, %add3A_590 : vector<16xf32>
    %broadcast_in_dim3A_592 = arith.constant 0.000000e+00 : f32
    %broadcast_in_dim3A_593 = vector.broadcast %broadcast_in_dim3A_592 : f32 to vector<16xf32>
    %scan3A_594 = arith.constant 0 : i32
    %scan3A_595 = arith.constant 64 : i32
    %scan3A_596 = arith.addi %scan3A_594, %scan3A_595 : i32
    %scan3A_597 = arith.constant 1 : i32
    %scan3A_598:2 = scf.for %scan3A_679 = %scan3A_594 to %scan3A_596 step %scan3A_597 iter_args(%scan3A_680 = %broadcast_in_dim3A_593, %scan3A_681 = %broadcast_in_dim3A_593) -> (vector<16xf32>, vector<16xf32>)  : i32 {
      %get3A = arith.constant 0 : i32
      %get3A_682 = arith.index_cast %get3A : i32 to index
      %get3A_683 = arith.index_cast %scan3A_679 : i32 to index
      %get3A_684 = arith.constant 112 : index
      %get3A_685 = tpu.vector_load %arg5[%get3A_682, %get3A_683, %get3A_684] {strides = array<i32>} : memref<4x64x128xf32, #tpu.memory_space<vmem>>, vector<1x1x16xf32>,
      %get3A_686 = vector.shape_cast %get3A_685 : vector<1x1x16xf32> to vector<16xf32>
      %add3A_687 = arith.addf %scan3A_680, %get3A_686 : vector<16xf32>
      %mul3A_688 = arith.mulf %get3A_686, %get3A_686 : vector<16xf32>
      %add3A_689 = arith.addf %scan3A_681, %mul3A_688 : vector<16xf32>
      scf.yield %add3A_687, %add3A_689 : vector<16xf32>, vector<16xf32>
    }
    %scan3A_599 = arith.constant 64 : i32
    %mul3A_600 = arith.constant 1.562500e-02 : f32
    %mul3A_601 = vector.broadcast %mul3A_600 : f32 to vector<16xf32>
    %mul3A_602 = arith.mulf %scan3A_598#0, %mul3A_601 : vector<16xf32>
    %broadcast_in_dim3A_603 = arith.constant 0.000000e+00 : f32
    %broadcast_in_dim3A_604 = vector.broadcast %broadcast_in_dim3A_603 : f32 to vector<16xf32>
    %scan3A_605 = arith.constant 0 : i32
    %scan3A_606 = arith.constant 64 : i32
    %scan3A_607 = arith.addi %scan3A_605, %scan3A_606 : i32
    %scan3A_608 = arith.constant 1 : i32
    %scan3A_609:2 = scf.for %scan3A_679 = %scan3A_605 to %scan3A_607 step %scan3A_608 iter_args(%scan3A_680 = %broadcast_in_dim3A_604, %scan3A_681 = %broadcast_in_dim3A_604) -> (vector<16xf32>, vector<16xf32>)  : i32 {
      %get3A = arith.constant 1 : i32
      %get3A_682 = arith.index_cast %get3A : i32 to index
      %get3A_683 = arith.index_cast %scan3A_679 : i32 to index
      %get3A_684 = arith.constant 112 : index
      %get3A_685 = tpu.vector_load %arg5[%get3A_682, %get3A_683, %get3A_684] {strides = array<i32>} : memref<4x64x128xf32, #tpu.memory_space<vmem>>, vector<1x1x16xf32>,
      %get3A_686 = vector.shape_cast %get3A_685 : vector<1x1x16xf32> to vector<16xf32>
      %add3A_687 = arith.addf %scan3A_680, %get3A_686 : vector<16xf32>
      %mul3A_688 = arith.mulf %get3A_686, %get3A_686 : vector<16xf32>
      %add3A_689 = arith.addf %scan3A_681, %mul3A_688 : vector<16xf32>
      scf.yield %add3A_687, %add3A_689 : vector<16xf32>, vector<16xf32>
    }
    %scan3A_610 = arith.constant 64 : i32
    %mul3A_611 = arith.constant 1.562500e-02 : f32
    %mul3A_612 = vector.broadcast %mul3A_611 : f32 to vector<16xf32>
    %mul3A_613 = arith.mulf %scan3A_609#0, %mul3A_612 : vector<16xf32>
    %broadcast_in_dim3A_614 = arith.constant 0.000000e+00 : f32
    %broadcast_in_dim3A_615 = vector.broadcast %broadcast_in_dim3A_614 : f32 to vector<16xf32>
    %scan3A_616 = arith.constant 0 : i32
    %scan3A_617 = arith.constant 64 : i32
    %scan3A_618 = arith.addi %scan3A_616, %scan3A_617 : i32
    %scan3A_619 = arith.constant 1 : i32
    %scan3A_620:2 = scf.for %scan3A_679 = %scan3A_616 to %scan3A_618 step %scan3A_619 iter_args(%scan3A_680 = %broadcast_in_dim3A_615, %scan3A_681 = %broadcast_in_dim3A_615) -> (vector<16xf32>, vector<16xf32>)  : i32 {
      %get3A = arith.constant 2 : i32
      %get3A_682 = arith.index_cast %get3A : i32 to index
      %get3A_683 = arith.index_cast %scan3A_679 : i32 to index
      %get3A_684 = arith.constant 112 : index
      %get3A_685 = tpu.vector_load %arg5[%get3A_682, %get3A_683, %get3A_684] {strides = array<i32>} : memref<4x64x128xf32, #tpu.memory_space<vmem>>, vector<1x1x16xf32>,
      %get3A_686 = vector.shape_cast %get3A_685 : vector<1x1x16xf32> to vector<16xf32>
      %add3A_687 = arith.addf %scan3A_680, %get3A_686 : vector<16xf32>
      %mul3A_688 = arith.mulf %get3A_686, %get3A_686 : vector<16xf32>
      %add3A_689 = arith.addf %scan3A_681, %mul3A_688 : vector<16xf32>
      scf.yield %add3A_687, %add3A_689 : vector<16xf32>, vector<16xf32>
    }
    %scan3A_621 = arith.constant 64 : i32
    %mul3A_622 = arith.constant 1.562500e-02 : f32
    %mul3A_623 = vector.broadcast %mul3A_622 : f32 to vector<16xf32>
    %mul3A_624 = arith.mulf %scan3A_620#0, %mul3A_623 : vector<16xf32>
    %broadcast_in_dim3A_625 = arith.constant 0.000000e+00 : f32
    %broadcast_in_dim3A_626 = vector.broadcast %broadcast_in_dim3A_625 : f32 to vector<16xf32>
    %scan3A_627 = arith.constant 0 : i32
    %scan3A_628 = arith.constant 64 : i32
    %scan3A_629 = arith.addi %scan3A_627, %scan3A_628 : i32
    %scan3A_630 = arith.constant 1 : i32
    %scan3A_631:2 = scf.for %scan3A_679 = %scan3A_627 to %scan3A_629 step %scan3A_630 iter_args(%scan3A_680 = %broadcast_in_dim3A_626, %scan3A_681 = %broadcast_in_dim3A_626) -> (vector<16xf32>, vector<16xf32>)  : i32 {
      %get3A = arith.constant 3 : i32
      %get3A_682 = arith.index_cast %get3A : i32 to index
      %get3A_683 = arith.index_cast %scan3A_679 : i32 to index
      %get3A_684 = arith.constant 112 : index
      %get3A_685 = tpu.vector_load %arg5[%get3A_682, %get3A_683, %get3A_684] {strides = array<i32>} : memref<4x64x128xf32, #tpu.memory_space<vmem>>, vector<1x1x16xf32>,
      %get3A_686 = vector.shape_cast %get3A_685 : vector<1x1x16xf32> to vector<16xf32>
      %add3A_687 = arith.addf %scan3A_680, %get3A_686 : vector<16xf32>
      %mul3A_688 = arith.mulf %get3A_686, %get3A_686 : vector<16xf32>
      %add3A_689 = arith.addf %scan3A_681, %mul3A_688 : vector<16xf32>
      scf.yield %add3A_687, %add3A_689 : vector<16xf32>, vector<16xf32>
    }
    %scan3A_632 = arith.constant 64 : i32
    %mul3A_633 = arith.constant 1.562500e-02 : f32
    %mul3A_634 = vector.broadcast %mul3A_633 : f32 to vector<16xf32>
    %mul3A_635 = arith.mulf %scan3A_631#0, %mul3A_634 : vector<16xf32>
    %broadcast_in_dim3A_636 = arith.constant 3.000000e+38 : f32
    %broadcast_in_dim3A_637 = vector.broadcast %broadcast_in_dim3A_636 : f32 to vector<16xf32>
    %scan3A_638 = arith.constant 0 : i32
    %scan3A_639 = arith.constant 256 : i32
    %scan3A_640 = arith.addi %scan3A_638, %scan3A_639 : i32
    %scan3A_641 = arith.constant 1 : i32
    %scan3A_642:4 = scf.for %scan3A_679 = %scan3A_638 to %scan3A_640 step %scan3A_641 iter_args(%scan3A_680 = %broadcast_in_dim3A_637, %scan3A_681 = %broadcast_in_dim3A_637, %scan3A_682 = %broadcast_in_dim3A_637, %scan3A_683 = %broadcast_in_dim3A_637) -> (vector<16xf32>, vector<16xf32>, vector<16xf32>, vector<16xf32>)  : i32 {
      %mul3A_684 = arith.constant 2 : i32
      %mul3A_685 = arith.muli %scan3A_679, %mul3A_684 : i32
      %add3A_686 = arith.constant 0 : i32
      %add3A_687 = arith.addi %mul3A_685, %add3A_686 : i32
      %get3A = arith.index_cast %add3A_687 : i32 to index
      %get3A_688 = arith.constant 112 : index
      %get3A_689 = tpu.vector_load %arg6[%get3A, %get3A_688] {strides = array<i32>} : memref<512x128xf32, #tpu.memory_space<vmem>>, vector<1x16xf32>,
      %get3A_690 = vector.shape_cast %get3A_689 : vector<1x16xf32> to vector<16xf32>
      %sub3A_691 = arith.subf %get3A_690, %mul3A_602 : vector<16xf32>
      %abs3A = math.absf %sub3A_691 : vector<16xf32>
      %min3A = arith.minimumf %scan3A_680, %abs3A : vector<16xf32>
      %sub3A_692 = arith.subf %get3A_690, %mul3A_613 : vector<16xf32>
      %abs3A_693 = math.absf %sub3A_692 : vector<16xf32>
      %min3A_694 = arith.minimumf %scan3A_681, %abs3A_693 : vector<16xf32>
      %sub3A_695 = arith.subf %get3A_690, %mul3A_624 : vector<16xf32>
      %abs3A_696 = math.absf %sub3A_695 : vector<16xf32>
      %min3A_697 = arith.minimumf %scan3A_682, %abs3A_696 : vector<16xf32>
      %sub3A_698 = arith.subf %get3A_690, %mul3A_635 : vector<16xf32>
      %abs3A_699 = math.absf %sub3A_698 : vector<16xf32>
      %min3A_700 = arith.minimumf %scan3A_683, %abs3A_699 : vector<16xf32>
      %mul3A_701 = arith.constant 2 : i32
      %mul3A_702 = arith.muli %scan3A_679, %mul3A_701 : i32
      %add3A_703 = arith.constant 1 : i32
      %add3A_704 = arith.addi %mul3A_702, %add3A_703 : i32
      %get3A_705 = arith.index_cast %add3A_704 : i32 to index
      %get3A_706 = arith.constant 112 : index
      %get3A_707 = tpu.vector_load %arg6[%get3A_705, %get3A_706] {strides = array<i32>} : memref<512x128xf32, #tpu.memory_space<vmem>>, vector<1x16xf32>,
      %get3A_708 = vector.shape_cast %get3A_707 : vector<1x16xf32> to vector<16xf32>
      %sub3A_709 = arith.subf %get3A_708, %mul3A_602 : vector<16xf32>
      %abs3A_710 = math.absf %sub3A_709 : vector<16xf32>
      %min3A_711 = arith.minimumf %min3A, %abs3A_710 : vector<16xf32>
      %sub3A_712 = arith.subf %get3A_708, %mul3A_613 : vector<16xf32>
      %abs3A_713 = math.absf %sub3A_712 : vector<16xf32>
      %min3A_714 = arith.minimumf %min3A_694, %abs3A_713 : vector<16xf32>
      %sub3A_715 = arith.subf %get3A_708, %mul3A_624 : vector<16xf32>
      %abs3A_716 = math.absf %sub3A_715 : vector<16xf32>
      %min3A_717 = arith.minimumf %min3A_697, %abs3A_716 : vector<16xf32>
      %sub3A_718 = arith.subf %get3A_708, %mul3A_635 : vector<16xf32>
      %abs3A_719 = math.absf %sub3A_718 : vector<16xf32>
      %min3A_720 = arith.minimumf %min3A_700, %abs3A_719 : vector<16xf32>
      scf.yield %min3A_711, %min3A_714, %min3A_717, %min3A_720 : vector<16xf32>, vector<16xf32>, vector<16xf32>, vector<16xf32>
    }
    %scan3A_643 = arith.constant 256 : i32
    %mul3A_644 = arith.mulf %scan3A_642#0, %scan3A_642#0 : vector<16xf32>
    %mul3A_645 = arith.mulf %mul3A_602, %mul3A_602 : vector<16xf32>
    %sub3A_646 = arith.subf %mul3A_644, %mul3A_645 : vector<16xf32>
    %mul3A_647 = arith.constant 6.400000e+01 : f32
    %mul3A_648 = vector.broadcast %mul3A_647 : f32 to vector<16xf32>
    %mul3A_649 = arith.mulf %mul3A_648, %sub3A_646 : vector<16xf32>
    %add3A_650 = arith.addf %mul3A_649, %scan3A_598#1 : vector<16xf32>
    %add3A_651 = arith.addf %add3A_591, %add3A_650 : vector<16xf32>
    %mul3A_652 = arith.mulf %scan3A_642#1, %scan3A_642#1 : vector<16xf32>
    %mul3A_653 = arith.mulf %mul3A_613, %mul3A_613 : vector<16xf32>
    %sub3A_654 = arith.subf %mul3A_652, %mul3A_653 : vector<16xf32>
    %mul3A_655 = arith.constant 6.400000e+01 : f32
    %mul3A_656 = vector.broadcast %mul3A_655 : f32 to vector<16xf32>
    %mul3A_657 = arith.mulf %mul3A_656, %sub3A_654 : vector<16xf32>
    %add3A_658 = arith.addf %mul3A_657, %scan3A_609#1 : vector<16xf32>
    %add3A_659 = arith.addf %add3A_651, %add3A_658 : vector<16xf32>
    %mul3A_660 = arith.mulf %scan3A_642#2, %scan3A_642#2 : vector<16xf32>
    %mul3A_661 = arith.mulf %mul3A_624, %mul3A_624 : vector<16xf32>
    %sub3A_662 = arith.subf %mul3A_660, %mul3A_661 : vector<16xf32>
    %mul3A_663 = arith.constant 6.400000e+01 : f32
    %mul3A_664 = vector.broadcast %mul3A_663 : f32 to vector<16xf32>
    %mul3A_665 = arith.mulf %mul3A_664, %sub3A_662 : vector<16xf32>
    %add3A_666 = arith.addf %mul3A_665, %scan3A_620#1 : vector<16xf32>
    %add3A_667 = arith.addf %add3A_659, %add3A_666 : vector<16xf32>
    %mul3A_668 = arith.mulf %scan3A_642#3, %scan3A_642#3 : vector<16xf32>
    %mul3A_669 = arith.mulf %mul3A_635, %mul3A_635 : vector<16xf32>
    %sub3A_670 = arith.subf %mul3A_668, %mul3A_669 : vector<16xf32>
    %mul3A_671 = arith.constant 6.400000e+01 : f32
    %mul3A_672 = vector.broadcast %mul3A_671 : f32 to vector<16xf32>
    %mul3A_673 = arith.mulf %mul3A_672, %sub3A_670 : vector<16xf32>
    %add3A_674 = arith.addf %mul3A_673, %scan3A_631#1 : vector<16xf32>
    %add3A_675 = arith.addf %add3A_667, %add3A_674 : vector<16xf32>
    %swap3A = arith.constant 0 : index
    %swap3A_676 = tpu.vector_load %arg7[%swap3A] {strides = array<i32>} : memref<16xf32, #tpu.memory_space<vmem>>, vector<16xf32>,
    %swap3A_677 = vector.shape_cast %swap3A_676 : vector<16xf32> to vector<16xf32>
    %swap3A_678 = vector.shape_cast %add3A_675 : vector<16xf32> to vector<16xf32>
    tpu.vector_store %arg7[%swap3A], %swap3A_678 {strides = array<i32>} : memref<16xf32, #tpu.memory_space<vmem>>, vector<16xf32>,
    "tpu.region"() ({
      %run_scoped3A = tpu.sem_alloc : memref<!tpu.dma_semaphore, #tpu.memory_space<semaphore_mem>>
      %dma_start3A = arith.constant 0 : i32
      %dma_start3A_679 = tpu.memref_slice %arg4[%add3A, %dma_start3A] : memref<32x16xf32, #tpu.memory_space<hbm>> -> memref<1x16xf32, #tpu.memory_space<hbm>>
      %dma_start3A_680 = tpu.memref_squeeze %dma_start3A_679 : memref<1x16xf32, #tpu.memory_space<hbm>> -> memref<16xf32, #tpu.memory_space<hbm>>
      %dma_start3A_681 = arith.constant 0 : i32
      %dma_start3A_682 = tpu.memref_slice %arg4[%add3A, %dma_start3A_681] : memref<32x16xf32, #tpu.memory_space<hbm>> -> memref<1x16xf32, #tpu.memory_space<hbm>>
      %dma_start3A_683 = tpu.memref_squeeze %dma_start3A_682 : memref<1x16xf32, #tpu.memory_space<hbm>> -> memref<16xf32, #tpu.memory_space<hbm>>
      tpu.enqueue_dma source(%arg7 : memref<16xf32, #tpu.memory_space<vmem>>) target(%dma_start3A_683 : memref<16xf32, #tpu.memory_space<hbm>>) target_semaphore(%run_scoped3A : memref<!tpu.dma_semaphore, #tpu.memory_space<semaphore_mem>>)
      %dma_wait3A = arith.constant 0 : i32
      %dma_wait3A_684 = tpu.memref_slice %arg4[%add3A, %dma_wait3A] : memref<32x16xf32, #tpu.memory_space<hbm>> -> memref<1x16xf32, #tpu.memory_space<hbm>>
      %dma_wait3A_685 = tpu.memref_squeeze %dma_wait3A_684 : memref<1x16xf32, #tpu.memory_space<hbm>> -> memref<16xf32, #tpu.memory_space<hbm>>
      %dma_wait3A_686 = arith.constant 0 : i32
      %dma_wait3A_687 = tpu.memref_slice %arg4[%add3A, %dma_wait3A_686] : memref<32x16xf32, #tpu.memory_space<hbm>> -> memref<1x16xf32, #tpu.memory_space<hbm>>
      %dma_wait3A_688 = tpu.memref_squeeze %dma_wait3A_687 : memref<1x16xf32, #tpu.memory_space<hbm>> -> memref<16xf32, #tpu.memory_space<hbm>>
      tpu.wait_dma2 semaphore(%run_scoped3A : memref<!tpu.dma_semaphore, #tpu.memory_space<semaphore_mem>>) src(%arg7 : memref<16xf32, #tpu.memory_space<vmem>>) dst(%dma_wait3A_688 : memref<16xf32, #tpu.memory_space<hbm>>)
      tpu.yield
    }) : () -> ()
    return
  }
}

module attributes {stable_mosaic.version = 14 : i64} {
  func.func @_tc_body(%arg0: i32, %arg1: memref<8x256x256xf32, #tpu.memory_space<vmem>>, %arg2: memref<8x1x256xi32, #tpu.memory_space<vmem>>, %arg3: memref<1x1xf32, #tpu.memory_space<smem>>) attributes {dimension_semantics = [#tpu.dimension_semantics<arbitrary>], iteration_bounds = array<i64: 8>, scalar_prefetch = 0 : i64, scratch_operands = 0 : i64, tpu.core_type = #tpu.core_type<tc>, window_params = [{transform_indices = @transform_0, window_bounds = array<i64: 8, 256, 256>}, {transform_indices = @transform_1, window_bounds = array<i64: 8, 1, 256>}, {transform_indices = @transform_2, window_bounds = array<i64: 1, 1>}]} {
    %get3A = arith.constant 0 : index
    %get3A_0 = arith.constant 0 : index
    %get3A_1 = arith.constant 0 : index
    %get3A_2 = vector.load %arg1[%get3A, %get3A_0, %get3A_1] : memref<8x256x256xf32, #tpu.memory_space<vmem>>, vector<8x256x256xf32>
    %reduce_max3A = arith.constant dense<0xFF800000> : vector<8x256xf32>
    %reduce_max3A_3 = vector.multi_reduction <maximumf>, %get3A_2, %reduce_max3A [1] : vector<8x256x256xf32> to vector<8x256xf32>
    %broadcast_in_dim3A = vector.shape_cast %reduce_max3A_3 : vector<8x256xf32> to vector<8x1x256xf32>
    %sub3A = vector.broadcast %broadcast_in_dim3A : vector<8x1x256xf32> to vector<8x256x256xf32>
    %sub3A_4 = arith.subf %get3A_2, %sub3A : vector<8x256x256xf32>
    %exp3A = math.exp %sub3A_4 : vector<8x256x256xf32>
    %reduce_sum3A = arith.constant dense<0.000000e+00> : vector<8x256xf32>
    %reduce_sum3A_5 = vector.multi_reduction <add>, %exp3A, %reduce_sum3A [1] : vector<8x256x256xf32> to vector<8x256xf32>
    %log3A = math.log %reduce_sum3A_5 : vector<8x256xf32>
    %squeeze3A = vector.shape_cast %broadcast_in_dim3A : vector<8x1x256xf32> to vector<8x256xf32>
    %add3A = arith.addf %log3A, %squeeze3A : vector<8x256xf32>
    %get3A_6 = arith.constant 0 : index
    %get3A_7 = arith.constant 0 : index
    %get3A_8 = arith.constant 0 : index
    %get3A_9 = vector.load %arg2[%get3A_6, %get3A_7, %get3A_8] : memref<8x1x256xi32, #tpu.memory_space<vmem>>, vector<8x1x256xi32>
    %get3A_10 = vector.shape_cast %get3A_9 : vector<8x1x256xi32> to vector<8x256xi32>
    %iota3A = tpu.iota {dimensions = array<i32: 1>} : vector<8x256x256xi32>
    %broadcast_in_dim3A_11 = vector.shape_cast %get3A_10 : vector<8x256xi32> to vector<8x1x256xi32>
    %eq3A = vector.broadcast %broadcast_in_dim3A_11 : vector<8x1x256xi32> to vector<8x256x256xi32>
    %eq3A_12 = arith.cmpi eq, %iota3A, %eq3A : vector<8x256x256xi32>
    %jit3A = arith.constant 0.000000e+00 : f32
    %broadcast_in_dim3A_13 = vector.broadcast %jit3A : f32 to vector<8x256x256xf32>
    %select_n3A = arith.select %eq3A_12, %get3A_2, %broadcast_in_dim3A_13 : vector<8x256x256xi1>, vector<8x256x256xf32>
    %reduce_sum3A_14 = arith.constant dense<0.000000e+00> : vector<8x256xf32>
    %reduce_sum3A_15 = vector.multi_reduction <add>, %select_n3A, %reduce_sum3A_14 [1] : vector<8x256x256xf32> to vector<8x256xf32>
    %sub3A_16 = arith.subf %reduce_sum3A_15, %add3A : vector<8x256xf32>
    %reduce_sum3A_17 = vector.shape_cast %sub3A_16 : vector<8x256xf32> to vector<1x8x256xf32>
    %reduce_sum3A_18 = arith.constant dense<0.000000e+00> : vector<1xf32>
    %reduce_sum3A_19 = vector.multi_reduction <add>, %reduce_sum3A_17, %reduce_sum3A_18 [1, 2] : vector<1x8x256xf32> to vector<1xf32>
    %reduce_sum3A_20 = vector.shape_cast %reduce_sum3A_19 : vector<1xf32> to vector<1x1x1xf32>
    %reduce_sum3A_21 = vector.extract %reduce_sum3A_20[0, 0, 0] : f32 from vector<1x1x1xf32>
    %eq3A_22 = arith.constant 0 : i32
    %eq3A_23 = arith.cmpi eq, %arg0, %eq3A_22 : i32
    %convert_element_type3A = arith.extui %eq3A_23 : i1 to i32
    %cond3A = arith.constant 0 : i32
    %cond3A_24 = arith.cmpi ne, %convert_element_type3A, %cond3A : i32
    scf.if %cond3A_24 {
      %swap3A_31 = arith.constant 0.000000e+00 : f32
      %swap3A_32 = arith.constant 0 : index
      %swap3A_33 = arith.constant 0 : index
      %swap3A_34 = memref.load %arg3[%swap3A_32, %swap3A_33] : memref<1x1xf32, #tpu.memory_space<smem>>
      memref.store %swap3A_31, %arg3[%swap3A_32, %swap3A_33] : memref<1x1xf32, #tpu.memory_space<smem>>
    } else {
    }
    %get3A_25 = arith.constant 0 : index
    %get3A_26 = arith.constant 0 : index
    %get3A_27 = memref.load %arg3[%get3A_25, %get3A_26] : memref<1x1xf32, #tpu.memory_space<smem>>
    %add3A_28 = arith.addf %get3A_27, %reduce_sum3A_21 : f32
    %swap3A = arith.constant 0 : index
    %swap3A_29 = arith.constant 0 : index
    %swap3A_30 = memref.load %arg3[%swap3A, %swap3A_29] : memref<1x1xf32, #tpu.memory_space<smem>>
    memref.store %add3A_28, %arg3[%swap3A, %swap3A_29] : memref<1x1xf32, #tpu.memory_space<smem>>
    return
  }
  func.func @transform_0(%arg0: i32) -> (i32, i32, i32) {
    %c0_i32 = arith.constant 0 : i32
    %c0_i32_0 = arith.constant 0 : i32
    %c0_i32_1 = arith.constant 0 : i32
    return %c0_i32, %c0_i32_0, %arg0 : i32, i32, i32
  }
  func.func @transform_1(%arg0: i32) -> (i32, i32, i32) {
    %c0_i32 = arith.constant 0 : i32
    %c0_i32_0 = arith.constant 0 : i32
    %c0_i32_1 = arith.constant 0 : i32
    return %c0_i32, %c0_i32_0, %arg0 : i32, i32, i32
  }
  func.func @transform_2(%arg0: i32) -> (i32, i32) {
    %c0_i32 = arith.constant 0 : i32
    %c0_i32_0 = arith.constant 0 : i32
    %c0_i32_1 = arith.constant 0 : i32
    return %c0_i32, %c0_i32_0 : i32, i32
  }
}

</mosaic_0001>

<sc_bundles>
// kernel: kernel.4.cloned.1.call-start
scs
__scs_entry_jumppad:
0x0: {  	(pc) =	sbr.rel $0x88, $3  }
0x1: {  	(tag) =	ssettag $0x0;
	lr =	simm.s32 $0x1  }
0x2: {  	[smem:$0x3F9D] =	sst lr;
	_ =	strace $0xD0000000  }
0x3: {  	_ = 	snop  }
0x4: {  	_ = 	snop  }
0x5: {  	_ = 	snop  }
0x6: {  	_ = 	snop  }
0x7: {  	_ = 	snop  }
__scs_overlays_trampoline_lowered:
0x8: {  	[smem:$0x3FAC] =	sst s0  }
0x9: {  	[smem:$0x3FAD] =	sst s1  }
0xa: {  	[smem:$0x3FAE] =	sst s2  }
0xb: {  	[smem:$0x3FAF] =	sst s3  }
0xc: {  	[smem:$0x3FB0] =	sst s4  }
0xd: {  	[smem:$0x3FB1] =	sst s5  }
0xe: {  	[smem:$0x3FB2] =	sst s6  }
0xf: {  	[smem:$0x3FB3] =	sst s7  }
0x10: {  	[smem:$0x3FB4] =	sst s8  }
0x11: {  	[smem:$0x3FB5] =	sst s9;
	s0 =	simm.s32 @!p0 $0x0  }
0x12: {  	s1 =	sld [smem:$0x3F9B];
	s0 =	simm.s32 @p0 $0x1  }
0x13: {  	[smem:$0x3FB6] =	sst s0;
	s0 =	simm.s32 @!p1 $0x0  }
0x14: {  	s2 =	sld [smem:$0x3F9A];
	s0 =	simm.s32 @p1 $0x1  }
0x15: {  	[smem:$0x3FB7] =	sst s0;
	s0 =	simm.s32 @!p2 $0x0  }
0x16: {  	s3 =	sld [smem:$0x3FDB];
	s0 =	simm.s32 @p2 $0x1  }
0x17: {  	s4 =	simm.s32 $0x1BF5;
	[smem:$0x3FB9] =	sst s0  }
0x18: {  	s0 =	sld [smem:$0x3F9C];
	_ =	swait.ge [sflag:s4], $0x0  }
0x19: {  	s7 =	sld [smem:$0x3F9D]  }
0x1a: {  	s8 =	sadd.s32 $0xFFFFE003, lr  }
0x1b: {  	s9 =	sadd.s32 $0xFFFFFEF7, lr;
	s5 =	simm.s32 $0xFFFFFFFF;
	p2 =	slt.u32 s8, $0xFFFFF086  }
0x1c: {  	p1 =	slt.u32 s9, $0xF7A;
	s5 =	simm.s32 @!p2 $0x0  }
0x1d: {  	s5 =	simm.s32 @p1 $0x1;
	p0 =	seq.s32 s7, s2  }
0x1e: {  	s7 =	smul.u32 @!p0 $0xF7A, s2;
	p2 =	seq.s32 @!p0 s5, $0x0  }
0x1f: {  	s9 =	smul.u32 $0xF7A, s1;
	s8 =	simm.s32 @!p0 $0x1BF5;
	p2 =	por !p2, p0  }
0x20: {  	[sflag:s8] =	ssyncset.s32 @!p0 $0xFFFFF086;
	s6 =	sadd.s32 @!p0 s3, s7;
	s7 =	simm.s32 @!p0 $0x108  }
0x21: {  	s3 =	sadd.s32 s3, s9;
	s6 =	sadd.s32 @!p0 $0x88, s6;
	s7 =	simm.s32 @p2 $0x1082  }
0x22: {  	[simem:s7], [sflag:s8] =	dma.local @!p0 [hbm:s6], $0xF7A  }
0x23: {  	s9 =	sor.u32 $0xD0000000, s2;
	s6 =	simm.s32 $0x108;
	_ =	swait.ge @!p0 [sflag:s8], $0x0  }
0x24: {  	s3 =	sadd.s32 $0x88, s3;
	s6 =	simm.s32 @!p1 $0x1082;
	[sflag:s4] =	ssyncset.s32 $0xFFFFF086  }
0x25: {  	[simem:s6], [sflag:s4] =	dma.local [hbm:s3], $0xF7A  }
0x26: {  	[smem:$0x3F9D] =	sst s1;
	(tag) =	ssettag s2;
	_ =	strace s9  }
0x27: {  	s1 =	sld [smem:$0x3FAD]  }
0x28: {  	s2 =	sld [smem:$0x3FAE]  }
0x29: {  	s4 =	sld [smem:$0x3FB0]  }
0x2a: {  	p0 =	seq.s32 s5, $0x0;
	s5 =	sld [smem:$0x3FB1]  }
0x2b: {  	s6 =	sld [smem:$0x3FB2]  }
0x2c: {  	s7 =	sld [smem:$0x3FB3]  }
0x2d: {  	s3 =	simm.s32 $0x108;
	s8 =	sld [smem:$0x3FB4]  }
0x2e: {  	s3 =	simm.s32 @!p0 $0x1082;
	s9 =	sld [smem:$0x3FB5]  }
0x2f: {  	lr =	sadd.s32 s0, s3;
	s0 =	sld [smem:$0x3FAC]  }
0x30: {  	s3 =	sld [smem:$0x3FAF]  }
0x31: {  	[smem:$0x3FB8] =	sst s10  }
0x32: {  	s10 =	sld [smem:$0x3FB6];
	_ =	sdelay $0x3  }
0x33: {  	p0 =	seq.s32 s10, $0x1;
	s10 =	sld [smem:$0x3FB8];
	_ =	sdelay $0x3  }
0x34: {  	[smem:$0x3FB8] =	sst s10  }
0x35: {  	s10 =	sld [smem:$0x3FB7];
	_ =	sdelay $0x3  }
0x36: {  	p1 =	seq.s32 s10, $0x1;
	s10 =	sld [smem:$0x3FB8];
	_ =	sdelay $0x3  }
0x37: {  	[smem:$0x3FB8] =	sst s10  }
0x38: {  	s10 =	sld [smem:$0x3FB9]  }
0x39: {  	_ = 	snop;
	(pc) =	sbr.ind lr, $3  }
0x3a: {  	_ = 	snop  }
0x3b: {  	_ = 	snop  }
0x3c: {  	p2 =	seq.s32 s10, $0x1;
	s10 =	sld [smem:$0x3FB8]  }
0x3d: {  	_ =	shalt  }
0x3e: {  	_ =	shalt  }
0x3f: {  	_ =	shalt  }
0x40: {  	_ =	shalt  }
0x41: {  	_ =	shalt  }
0x42: {  	_ =	shalt  }
0x43: {  	_ =	shalt  }
0x44: {  	_ =	shalt  }
0x45: {  	_ =	shalt  }
0x46: {  	_ =	shalt  }
0x47: {  	_ =	shalt  }
0x48: {  	_ =	shalt  }
0x49: {  	_ =	shalt  }
0x4a: {  	_ =	shalt  }
0x4b: {  	_ =	shalt  }
0x4c: {  	_ =	shalt  }
0x4d: {  	_ =	shalt  }
0x4e: {  	_ =	shalt  }
0x4f: {  	_ =	shalt  }
0x50: {  	_ =	shalt  }
0x51: {  	_ =	shalt  }
0x52: {  	_ =	shalt  }
0x53: {  	_ =	shalt  }
0x54: {  	_ =	shalt  }
0x55: {  	_ =	shalt  }
0x56: {  	_ =	shalt  }
0x57: {  	_ =	shalt  }
0x58: {  	_ =	shalt  }
0x59: {  	_ =	shalt  }
0x5a: {  	_ =	shalt  }
0x5b: {  	_ =	shalt  }
0x5c: {  	_ =	shalt  }
0x5d: {  	_ =	shalt  }
0x5e: {  	_ =	shalt  }
0x5f: {  	_ =	shalt  }
0x60: {  	_ =	shalt  }
0x61: {  	_ =	shalt  }
0x62: {  	_ =	shalt  }
0x63: {  	_ =	shalt  }
0x64: {  	_ =	shalt  }
0x65: {  	_ =	shalt  }
0x66: {  	_ =	shalt  }
0x67: {  	_ =	shalt  }
0x68: {  	_ =	shalt  }
0x69: {  	_ =	shalt  }
0x6a: {  	_ =	shalt  }
0x6b: {  	_ =	shalt  }
0x6c: {  	_ =	shalt  }
0x6d: {  	_ =	shalt  }
0x6e: {  	_ =	shalt  }
0x6f: {  	_ =	shalt  }
0x70: {  	_ =	shalt  }
0x71: {  	_ =	shalt  }
0x72: {  	_ =	shalt  }
0x73: {  	_ =	shalt  }
0x74: {  	_ =	shalt  }
0x75: {  	_ =	shalt  }
0x76: {  	_ =	shalt  }
0x77: {  	_ =	shalt  }
0x78: {  	_ =	shalt  }
0x79: {  	_ =	shalt  }
0x7a: {  	_ =	shalt  }
0x7b: {  	_ =	shalt  }
0x7c: {  	_ =	shalt  }
0x7d: {  	_ =	shalt  }
0x7e: {  	_ =	shalt  }
0x7f: {  	_ =	shalt  }
0x80: {  	_ =	shalt  }
0x81: {  	_ =	shalt  }
0x82: {  	_ =	shalt  }
0x83: {  	_ =	shalt  }
0x84: {  	_ =	shalt  }
0x85: {  	_ =	shalt  }
0x86: {  	_ =	shalt  }
0x87: {  	_ =	shalt  }
.Lfunc_end0:
.L_simem_size_0:
called_computation_lowered:
.L_overlay_start_0:
0x88: {  	s2 =	sld [smem:$0x3FD9]  }
0x89: {  	s3 =	sld [smem:$0x3FFE];
	_ =	sdelay $0x1  }
0x8a: {  	s1 =	srdreg.scid  }
0x8b: {  	s0 =	sand.u32 $0x1, s1  }
0x8c: {  	s17 =	sshll.u32 s0, $0xA;
	s2 =	sadd.s32 s3, s2  }
0x8d: {  	s2 =	sadd.s32 s2, s17  }
0x8e: {  	[smem:$0x3FC4] =	sst s2  }
0x8f: {  	_ = 	snop  }
0x90: {  	s2 =	sld [smem:$0x3FC7];
	(tm) =	ssettm $0x1  }
0x91: {  	s18 =	sld [smem:$0x3FFB];
	_ =	sdelay $0x3  }
0x92: {  	_ =	strace s18  }
0x93: {  	s3 =	sld [smem:$0x3FFC];
	_ =	sdelay $0x3  }
0x94: {  	_ =	strace s3  }
0x95: {  	s3 =	sld [smem:$0x3FFD];
	_ =	sdelay $0x3  }
0x96: {  	_ =	strace s3  }
0x97: {  	_ =	strace $0x8FFFFFFF  }
0x98: {  	s19 =	sld [smem:$0x3FDB];
	_ =	sdelay $0x1  }
0x99: {  	s4 =	simm.s32 $_scs_section_size  }
0x9a: {  	s5 =	simm.s32 $_size__tile_overlayer_lowered;
	s6 =	simm.s32 $_tile_overlayer_lowered  }
0x9b: {  	s22 =	simm.s32 $0x1BFF;
	s21 =	sshll.u32 s6, $0x1;
	s3 =	sadd.s32 s4, s19  }
0x9c: {  	s7 =	simm.s32 $0x0;
	s20 =	sshll.u32 s5, $0x1;
	s5 =	sadd.s32 s21, s3  }
0x9d: {  	[timem:s7], [sflag:s22] =	dma.local [hbm:s5], s20  }
0x9e: {  	_ =	swait.ge [sflag:s22], s20  }
0x9f: {  	s4 =	ssub.s32 $0x0, s20;
	[sflag:s22] =	ssyncset.done $0x0  }
0xa0: {  	[sflag:s22] =	ssyncadd.s32 s4;
	_ =	sdelay $0x1  }
0xa1: {  	s23 =	simm.s32 $0x1B8B  }
0xa2: {  	_ =	swait.ge [sflag:s23], $0x1  }
0xa3: {  	[sflag:s23] =	ssyncset.done $0x0  }
0xa4: {  	s25 =	simm.s32 $0x1B8E;
	s24 =	sld [smem:$0x3FFE];
	[sflag:s23] =	ssyncadd.s32 $0xFFFFFFFF  }
0xa5: {  	s26 =	simm.s32 $execute0_lowered;
	[smem:$0x3FD2] =	sst s25  }
0xa6: {  	s5 =	sshll.u32 s26, $0x1;
	_ =	strace $0x80000046;
	[dreg:$0x1] =	wrdreg $0xFFFFFFFF  }
0xa7: {  	s28 =	simm.s32 $_size_execute0_lowered;
	s3 =	sadd.s32 s3, s5;
	[dreg:$0x0] =	wrdreg $0x0  }
0xa8: {  	s5 =	sshll.u32 s28, $0x1;
	[dreg:$0x2] =	wrdreg s3  }
0xa9: {  	[dreg:$0x3] =	wrdreg s5  }
0xaa: {  	[dreg:$0x4] =	wrdreg $0xC0  }
0xab: {  	_ =	task [dreg:s7], $0x5FFFF  }
0xac: {  	[dreg:$0x1] =	wrdreg $0xFFFFFFFF  }
0xad: {  	[dreg:$0x0] =	wrdreg $0x60  }
0xae: {  	[dreg:$0x2] =	wrdreg s2  }
0xaf: {  	[dreg:$0x3] =	wrdreg s24  }
0xb0: {  	[dreg:$0x4] =	wrdreg $0x9  }
0xb1: {  	_ =	task.clear_ibuf [dreg:s7], $0x5FFFF;
	_ =	strace $0x90000046  }
0xb2: {  	s29 =	simm.s32 $0x9;
	_ =	strace $0x80000048  }
0xb3: {  	_ =	swait.ge [sflag:s29], $0x1  }
0xb4: {  	[sflag:s29] =	ssyncadd.s32 $0xFFFFFFFF  }
0xb5: {  	_ =	strace $0x90000048  }
0xb6: {  	_ =	sfence  }
0xb7: {  	s30 =	sld [smem:$0x0];
	_ =	sdelay $0x2  }
0xb8: {  	s31 =	sshll.u32 s1, $0xD;
	s1 =	sshrl.u32 s1, $0x2  }
0xb9: {  	s3 =	sand.u32 $0x4000, s31;
	s1 =	sadd.s32 s1, s30  }
0xba: {  	s0 =	sor.u32 s3, s0;
	s1 =	sshll.u32 s1, $0x11  }
0xbb: {  	s0 =	sor.u32 s1, s0  }
0xbc: {  	s0 =	sadd.s32 $0x8F2B, s0  }
0xbd: {  	[sflag:s0] =	ssyncadd.remote.s32 $0x1  }
0xbe: {  	_ =	sfence.sel $0xFFFF  }
0xbf: {  	[dreg:$0x0] =	wrdreg $0xFFFFFFFF;
	(pc) =	sbr.abs _section_cstart, $3  }
0xc0: {  	[dreg:$0x1] =	wrdreg $0xFFFFFFFF  }
0xc1: {  	_ =	task.clear_ibuf [dreg:s7], $0x2FFFF;
	_ =	strace $0x9FFFFFFF  }
0xc2: {  	(tm) =	ssettm $0x7FFFFFFF  }
0xc3: {  	_ =	shalt  }
tec
execute0_lowered:
.L_overlay_start_1:
0x0: {  	(tag) =	ssettag $0x1  }
0x1: {  	s3 =	rddreg [dreg:$0x0]  }
0x2: {  	s4 =	rddreg [dreg:$0x1]  }
0x3: {  	s0 =	rddreg [dreg:$0x2];
	s2 =	simm.s32 $0x0;
	s5 =	srdreg.scid  }
0x4: {  	s1 =	stileid.u32;
	s10 =	simm.s32 $0x8000;
	s11 =	simm.s32 $0x18000  }
0x5: {  	s12 =	simm.s32 $0x0;
	[smem:$0x7FF] =	sst s2;
	s5 =	sand.u32 $0x1, s5  }
0x6: {  	s6 =	sshll.u32 s1, $0x7;
	s9 =	sshll.u32 s1, $0xA;
	s30 =	sshll.u32 s1, $0x5  }
0x7: {  	s7 =	smul.u32 $0x88000, s5;
	s8 =	sshll.u32 s5, $0x4;
	s5 =	ssub.s32 $0x2, s5  }
0x8: {  	_ =	strace $0x80000047;
	s6 =	sadd.s32 s6, s4;
	s29 =	sshrl.u32 s5, $0x1  }
0x9: {  	s4 =	sadd.s32 s8, s4;
	s7 =	sor.u32 s9, s7;
	s8 =	ssub.s32 s5, s29  }
0xa: {  	s31 =	sadd.s32 s30, s4;
	s4 =	sadd.s32 $0x1200, s6;
	s9 =	simm.s32 $0x1  }
0xb: {  	s7 =	sshrl.u32 s7, $0x3;
	s5 =	sadd.s32 $0x23200, s31;
	s6 =	smax.u32 s8, $0x1  }
0xc: {  	s8 =	simm.s32 $0x4400;
	s3 =	sadd.s32 s3, s7;
	s7 =	simm.s32 $0x400  }
.LBB2_1:
0xd: {  	[tilespmem:s2], [sflag:$0x1] =	stream.strided.gather [hbm4b:s3+s7], $0x8000, s8, s7, $0x38;
	[tilespmem:$0x18080] =	vst v63  }
0xe: {  	_ =	swait.ge [sflag:s9], $0x8000  }
0xf: {  	[sflag:s9] =	ssyncset.done $0x0  }
0x10: {  	[sflag:s9] =	ssyncadd.s32 $0xFFFF8000  }
0x11: {  	[tilespmem:s10], [sflag:$0x1] =	stream.strided.gather [hbm4b:s4+s7], $0x10000, s8, s7, $0x38;
	[tilespmem:$0x18080] =	vst v63  }
0x12: {  	_ =	swait.ge [sflag:s9], $0x10000  }
0x13: {  	[sflag:s9] =	ssyncset.done $0x0  }
0x14: {  	s14 =	simm.s32 $0x0;
	[sflag:s9] =	ssyncadd.s32 $0xFFFF0000  }
0x15: {  	v3 =	vld [tilespmem:s14+$0x0]  }
0x16: {  	v1 =	vimm.f32 $0.0e+00;
	s13 =	simm.s32 $0x200;
	v0 =	vimm.f32 $0.0e+00;
	v2 =	vimm.f32 $0.0e+00  }
.LBB2_2:
0x17: {  	p0 =	sne.s32 s13, $0x7E00  }
.Ltmp0:
0x18: {  	_ = 	snop;
	(pc) =	sbr.rel @p0 .LBB2_2-.Ltmp0, $4  }
0x19: {  	_ = 	snop  }
0x1a: {  	s14 =	sshra.s32 s13, $0x2;
	s13 =	sadd.s32 $0x200, s13;
	v0 =	vadd.f32 v3, v0;
	v4 =	vmul.f32 v3, v3  }
0x1b: {  	v3 =	vld [tilespmem:s14+$0x0]  }
0x1c: {  	v2 =	vadd.f32 v4, v2  }
0x1d: {  	_ =	sdelay $0x2  }
0x1e: {  	v4 =	vmul.f32 v3, v3;
	_ =	sdelay $0x1  }
0x1f: {  	s13 =	simm.s32 $0x0;
	v2 =	vadd.f32 v4, v2  }
0x20: {  	v0 =	vadd.f32 v3, v0;
	v3 =	vld [tilespmem:s13+$0x2000]  }
0x21: {  	s14 =	simm.s32 $0x200;
	[tilespmem:$0x1FFF0] =	vst v2;
	v2 =	vimm.f32 $0.0e+00  }
.LBB2_4:
0x22: {  	p0 =	sne.s32 s14, $0x7E00  }
.Ltmp1:
0x23: {  	_ = 	snop;
	(pc) =	sbr.rel @p0 .LBB2_4-.Ltmp1, $4  }
0x24: {  	_ = 	snop  }
0x25: {  	s15 =	sshra.s32 s14, $0x2;
	s14 =	sadd.s32 $0x200, s14;
	v1 =	vadd.f32 v3, v1;
	v4 =	vmul.f32 v3, v3  }
0x26: {  	v3 =	vld [tilespmem:s15+$0x2000]  }
0x27: {  	v2 =	vadd.f32 v4, v2  }
0x28: {  	_ =	sdelay $0x2  }
0x29: {  	v4 =	vmul.f32 v3, v3;
	_ =	sdelay $0x1  }
0x2a: {  	v2 =	vadd.f32 v4, v2  }
0x2b: {  	v5 =	vld [tilespmem:s13+$0x4000];
	v1 =	vadd.f32 v3, v1  }
0x2c: {  	s14 =	simm.s32 $0x200;
	v3 =	vimm.f32 $0.0e+00;
	v4 =	vimm.f32 $0.0e+00;
	[tilespmem:$0x1FFE0] =	vst v2;
	v2 =	vimm.f32 $0.0e+00  }
.LBB2_6:
0x2d: {  	p0 =	sne.s32 s14, $0x7E00  }
.Ltmp2:
0x2e: {  	_ = 	snop;
	(pc) =	sbr.rel @p0 .LBB2_6-.Ltmp2, $4  }
0x2f: {  	_ = 	snop  }
0x30: {  	s13 =	sshra.s32 s14, $0x2;
	s14 =	sadd.s32 $0x200, s14;
	v3 =	vadd.f32 v5, v3;
	v6 =	vmul.f32 v5, v5  }
0x31: {  	v5 =	vld [tilespmem:s13+$0x4000]  }
0x32: {  	v4 =	vadd.f32 v6, v4  }
0x33: {  	_ =	sdelay $0x2  }
0x34: {  	v6 =	vmul.f32 v5, v5;
	_ =	sdelay $0x1  }
0x35: {  	s14 =	simm.s32 $0x0;
	v4 =	vadd.f32 v6, v4  }
0x36: {  	v3 =	vadd.f32 v5, v3;
	v5 =	vld [tilespmem:s14+$0x6000]  }
0x37: {  	s13 =	simm.s32 $0x200;
	[tilespmem:$0x1FFD0] =	vst v4;
	v4 =	vimm.f32 $0.0e+00  }
.LBB2_8:
0x38: {  	p0 =	sne.s32 s13, $0x7E00  }
.Ltmp3:
0x39: {  	_ = 	snop;
	(pc) =	sbr.rel @p0 .LBB2_8-.Ltmp3, $4  }
0x3a: {  	_ = 	snop  }
0x3b: {  	s14 =	sshra.s32 s13, $0x2;
	s13 =	sadd.s32 $0x200, s13;
	v2 =	vadd.f32 v5, v2;
	v6 =	vmul.f32 v5, v5  }
0x3c: {  	v5 =	vld [tilespmem:s14+$0x6000]  }
0x3d: {  	v4 =	vadd.f32 v6, v4  }
0x3e: {  	s13 =	simm.s32 $0x0  }
0x3f: {  	v8 =	vld [tilespmem:s13+$0x8080]  }
0x40: {  	v9 =	vld [tilespmem:s13+$0x8000];
	_ =	sdelay $0x1  }
0x41: {  	v2 =	vadd.f32 v5, v2;
	v5 =	vmul.f32 v5, v5  }
0x42: {  	v7 =	vmul.f32 $1.562500000e-02, v0;
	v6 =	vmul.f32 $1.562500000e-02, v1  }
0x43: {  	v0 =	vadd.f32 v5, v4;
	v5 =	vmul.f32 $1.562500000e-02, v3  }
0x44: {  	v4 =	vmul.f32 $1.562500000e-02, v2;
	v1 =	vsub.f32 v8, v6;
	v3 =	vsub.f32 v9, v7  }
0x45: {  	v11 =	vsub.f32 v9, v6;
	[tilespmem:$0x1FFC0] =	vst v0;
	v0 =	vsub.f32 v8, v7  }
0x46: {  	v13 =	vimm.f32 $3.000000010e+38;
	v2 =	vsub.f32 v8, v5;
	v10 =	vsub.f32 v8, v4  }
0x47: {  	s14 =	simm.s32 $0x100;
	v12 =	vsub.f32 v9, v5;
	v14 =	vsub.f32 v9, v4;
	v9 =	vand.u32 $0x7FFFFFFF, v3  }
0x48: {  	v8 =	vand.u32 $0x7FFFFFFF, v1;
	v11 =	vand.u32 $0x7FFFFFFF, v11;
	v1 =	vld [tilespmem:s14+$0x8080];
	v0 =	vand.u32 $0x7FFFFFFF, v0  }
0x49: {  	v3 =	vand.u32 $0x7FFFFFFF, v2;
	v2 =	vmin.f32 v13, v9;
	v9 =	vand.u32 $0x7FFFFFFF, v10  }
0x4a: {  	v10 =	vand.u32 $0x7FFFFFFF, v12;
	v14 =	vand.u32 $0x7FFFFFFF, v14;
	v0 =	vmin.f32 v2, v0;
	v2 =	vld [tilespmem:s14+$0x8000]  }
0x4b: {  	v12 =	vmin.f32 v13, v11;
	s14 =	simm.s32 $0x800;
	v11 =	vmin.f32 v13, v10;
	v10 =	vmin.f32 v13, v14  }
.LBB2_10:
0x4c: {  	p0 =	sne.s32 s14, $0x3FC00;
	v12 =	vmin.f32 v12, v8;
	v11 =	vmin.f32 v11, v3;
	v10 =	vmin.f32 v10, v9  }
0x4d: {  	v3 =	vsub.f32 v1, v7;
	v8 =	vsub.f32 v1, v6  }
0x4e: {  	v9 =	vsub.f32 v1, v5;
	v13 =	vsub.f32 v1, v4  }
0x4f: {  	v14 =	vsub.f32 v2, v7;
	v15 =	vsub.f32 v2, v6  }
.Ltmp4:
0x50: {  	s15 =	sshra.s32 s14, $0x2;
	v16 =	vsub.f32 v2, v5;
	v17 =	vsub.f32 v2, v4;
	v18 =	vand.u32 $0x7FFFFFFF, v3;
	(pc) =	sbr.rel @p0 .LBB2_10-.Ltmp4, $4  }
0x51: {  	v8 =	vand.u32 $0x7FFFFFFF, v8;
	v3 =	vand.u32 $0x7FFFFFFF, v9;
	v1 =	vld [tilespmem:s15+$0x8080];
	v2 =	vand.u32 $0x7FFFFFFF, v14  }
0x52: {  	v9 =	vand.u32 $0x7FFFFFFF, v13;
	v14 =	vand.u32 $0x7FFFFFFF, v15;
	v0 =	vmin.f32 v0, v2  }
0x53: {  	v13 =	vand.u32 $0x7FFFFFFF, v16;
	v15 =	vand.u32 $0x7FFFFFFF, v17;
	v2 =	vld [tilespmem:s15+$0x8000];
	v0 =	vmin.f32 v0, v18  }
0x54: {  	s14 =	sadd.s32 $0x400, s14;
	v12 =	vmin.f32 v12, v14;
	v11 =	vmin.f32 v11, v13;
	v10 =	vmin.f32 v10, v15  }
0x55: {  	_ =	sdelay $0x1  }
0x56: {  	v8 =	vmin.f32 v12, v8;
	v59 =	vsub.f32 v1, v7  }
0x57: {  	v3 =	vmin.f32 v11, v3;
	v13 =	vsub.f32 v1, v6;
	v61 =	vsub.f32 v2, v7  }
0x58: {  	v9 =	vmin.f32 v10, v9;
	v60 =	vsub.f32 v1, v5;
	v14 =	vsub.f32 v1, v4  }
0x59: {  	v15 =	vsub.f32 v2, v6;
	v16 =	vsub.f32 v2, v5;
	v10 =	vand.u32 $0x7FFFFFFF, v61  }
0x5a: {  	v2 =	vsub.f32 v2, v4;
	v12 =	vand.u32 $0x7FFFFFFF, v59;
	v0 =	vmin.f32 v0, v10  }
0x5b: {  	v13 =	vand.u32 $0x7FFFFFFF, v13;
	v62 =	vand.u32 $0x7FFFFFFF, v15;
	v0 =	vmin.f32 v0, v12  }
0x5c: {  	v11 =	vand.u32 $0x7FFFFFFF, v60;
	v63 =	vand.u32 $0x7FFFFFFF, v16;
	[tilespmem:$0x1FF80] =	vst v0;
	v0 =	vmin.f32 v8, v62  }
0x5d: {  	v2 =	vand.u32 $0x7FFFFFFF, v2;
	v3 =	vmin.f32 v3, v63;
	v0 =	vmin.f32 v0, v13  }
0x5e: {  	v14 =	vand.u32 $0x7FFFFFFF, v14;
	v2 =	vmin.f32 v9, v2;
	[tilespmem:$0x1FF90] =	vst v0;
	v0 =	vmin.f32 v3, v11  }
0x5f: {  	v3 =	vld [tilespmem:s13+$0x10];
	[tilespmem:$0x1FFA0] =	vst v0;
	v0 =	vmin.f32 v2, v14  }
0x60: {  	s14 =	simm.s32 $0x200;
	v1 =	vimm.f32 $0.0e+00;
	v2 =	vimm.f32 $0.0e+00;
	[tilespmem:$0x1FFB0] =	vst v0;
	v0 =	vimm.f32 $0.0e+00  }
.LBB2_12:
0x61: {  	p0 =	sne.s32 s14, $0x7E00  }
.Ltmp5:
0x62: {  	_ = 	snop;
	(pc) =	sbr.rel @p0 .LBB2_12-.Ltmp5, $4  }
0x63: {  	_ = 	snop  }
0x64: {  	s13 =	sshra.s32 s14, $0x2;
	s14 =	sadd.s32 $0x200, s14;
	v0 =	vadd.f32 v3, v0;
	v8 =	vmul.f32 v3, v3  }
0x65: {  	v3 =	vld [tilespmem:s13+$0x10]  }
0x66: {  	v2 =	vadd.f32 v8, v2  }
0x67: {  	_ =	sdelay $0x2  }
0x68: {  	v8 =	vmul.f32 v3, v3;
	_ =	sdelay $0x1  }
0x69: {  	s13 =	simm.s32 $0x0;
	v2 =	vadd.f32 v8, v2  }
0x6a: {  	v0 =	vadd.f32 v3, v0;
	v3 =	vld [tilespmem:s13+$0x2010]  }
0x6b: {  	s14 =	simm.s32 $0x200;
	[tilespmem:$0x1FF70] =	vst v2;
	v2 =	vimm.f32 $0.0e+00  }
.LBB2_14:
0x6c: {  	p0 =	sne.s32 s14, $0x7E00  }
.Ltmp6:
0x6d: {  	_ = 	snop;
	(pc) =	sbr.rel @p0 .LBB2_14-.Ltmp6, $4  }
0x6e: {  	_ = 	snop  }
0x6f: {  	s15 =	sshra.s32 s14, $0x2;
	s14 =	sadd.s32 $0x200, s14;
	v1 =	vadd.f32 v3, v1;
	v8 =	vmul.f32 v3, v3  }
0x70: {  	v3 =	vld [tilespmem:s15+$0x2010]  }
0x71: {  	v2 =	vadd.f32 v8, v2  }
0x72: {  	_ =	sdelay $0x2  }
0x73: {  	v8 =	vmul.f32 v3, v3;
	_ =	sdelay $0x1  }
0x74: {  	v2 =	vadd.f32 v8, v2  }
0x75: {  	v9 =	vld [tilespmem:s13+$0x4010];
	v1 =	vadd.f32 v3, v1  }
0x76: {  	s14 =	simm.s32 $0x200;
	v3 =	vimm.f32 $0.0e+00;
	v8 =	vimm.f32 $0.0e+00;
	[tilespmem:$0x1FF60] =	vst v2;
	v2 =	vimm.f32 $0.0e+00  }
.LBB2_16:
0x77: {  	p0 =	sne.s32 s14, $0x7E00  }
.Ltmp7:
0x78: {  	_ = 	snop;
	(pc) =	sbr.rel @p0 .LBB2_16-.Ltmp7, $4  }
0x79: {  	_ = 	snop  }
0x7a: {  	s13 =	sshra.s32 s14, $0x2;
	s14 =	sadd.s32 $0x200, s14;
	v3 =	vadd.f32 v9, v3;
	v10 =	vmul.f32 v9, v9  }
0x7b: {  	v9 =	vld [tilespmem:s13+$0x4010]  }
0x7c: {  	v8 =	vadd.f32 v10, v8  }
0x7d: {  	_ =	sdelay $0x2  }
0x7e: {  	v10 =	vmul.f32 v9, v9;
	_ =	sdelay $0x1  }
0x7f: {  	s14 =	simm.s32 $0x0;
	v8 =	vadd.f32 v10, v8  }
0x80: {  	v3 =	vadd.f32 v9, v3;
	v9 =	vld [tilespmem:s14+$0x6010]  }
0x81: {  	s13 =	simm.s32 $0x200;
	[tilespmem:$0x1FF50] =	vst v8;
	v8 =	vimm.f32 $0.0e+00  }
.LBB2_18:
0x82: {  	p0 =	sne.s32 s13, $0x7E00  }
.Ltmp8:
0x83: {  	_ = 	snop;
	(pc) =	sbr.rel @p0 .LBB2_18-.Ltmp8, $4  }
0x84: {  	_ = 	snop  }
0x85: {  	s14 =	sshra.s32 s13, $0x2;
	s13 =	sadd.s32 $0x200, s13;
	v2 =	vadd.f32 v9, v2;
	v10 =	vmul.f32 v9, v9  }
0x86: {  	v9 =	vld [tilespmem:s14+$0x6010]  }
0x87: {  	v8 =	vadd.f32 v10, v8  }
0x88: {  	s13 =	simm.s32 $0xFFFF0000  }
0x89: {  	v10 =	vld [tilespmem:s13+$0x18090]  }
0x8a: {  	v11 =	vld [tilespmem:s13+$0x18010];
	_ =	sdelay $0x1  }
0x8b: {  	v18 =	vmul.f32 $1.562500000e-02, v1;
	v2 =	vadd.f32 v9, v2;
	v9 =	vmul.f32 v9, v9  }
0x8c: {  	v19 =	vmul.f32 $1.562500000e-02, v0;
	v17 =	vmul.f32 $1.562500000e-02, v3  }
0x8d: {  	v0 =	vadd.f32 v9, v8;
	v1 =	vsub.f32 v10, v18  }
0x8e: {  	v16 =	vmul.f32 $1.562500000e-02, v2;
	v2 =	vsub.f32 v10, v17;
	v3 =	vsub.f32 v11, v19  }
0x8f: {  	v12 =	vsub.f32 v11, v18;
	v13 =	vsub.f32 v11, v17  }
0x90: {  	[tilespmem:$0x1FF40] =	vst v0;
	v0 =	vsub.f32 v10, v19;
	v9 =	vsub.f32 v10, v16  }
0x91: {  	s31 =	simm.s32 $0xFFFF0100;
	v10 =	vimm.f32 $3.000000010e+38;
	v11 =	vsub.f32 v11, v16;
	v14 =	vand.u32 $0x7FFFFFFF, v3  }
0x92: {  	v8 =	vand.u32 $0x7FFFFFFF, v1;
	v3 =	vand.u32 $0x7FFFFFFF, v2;
	v12 =	vand.u32 $0x7FFFFFFF, v12;
	v1 =	vld [tilespmem:s31+$0x18090]  }
0x93: {  	v13 =	vand.u32 $0x7FFFFFFF, v13;
	v0 =	vand.u32 $0x7FFFFFFF, v0;
	v2 =	vmin.f32 v10, v14  }
0x94: {  	v9 =	vand.u32 $0x7FFFFFFF, v9;
	v14 =	vand.u32 $0x7FFFFFFF, v11;
	v0 =	vmin.f32 v2, v0;
	v2 =	vld [tilespmem:s31+$0x18010]  }
0x95: {  	s13 =	simm.s32 $0xFFFC0800;
	v12 =	vmin.f32 v10, v12;
	v11 =	vmin.f32 v10, v13;
	v10 =	vmin.f32 v10, v14  }
.LBB2_20:
0x96: {  	p0 =	sne.s32 s13, $0xFFFFFC00;
	v12 =	vmin.f32 v12, v8;
	v11 =	vmin.f32 v11, v3;
	v10 =	vmin.f32 v10, v9  }
0x97: {  	v3 =	vsub.f32 v1, v19;
	v8 =	vsub.f32 v1, v18  }
0x98: {  	v9 =	vsub.f32 v1, v17;
	v13 =	vsub.f32 v1, v16  }
0x99: {  	v14 =	vsub.f32 v2, v19;
	v15 =	vsub.f32 v2, v18  }
.Ltmp9:
0x9a: {  	s14 =	sshra.s32 s13, $0x2;
	v20 =	vsub.f32 v2, v17;
	v21 =	vsub.f32 v2, v16;
	v22 =	vand.u32 $0x7FFFFFFF, v3;
	(pc) =	sbr.rel @p0 .LBB2_20-.Ltmp9, $4  }
0x9b: {  	v8 =	vand.u32 $0x7FFFFFFF, v8;
	v3 =	vand.u32 $0x7FFFFFFF, v9;
	v1 =	vld [tilespmem:s14+$0x18090];
	v2 =	vand.u32 $0x7FFFFFFF, v14  }
0x9c: {  	v9 =	vand.u32 $0x7FFFFFFF, v13;
	v14 =	vand.u32 $0x7FFFFFFF, v15;
	v0 =	vmin.f32 v0, v2  }
0x9d: {  	v13 =	vand.u32 $0x7FFFFFFF, v20;
	v15 =	vand.u32 $0x7FFFFFFF, v21;
	v2 =	vld [tilespmem:s14+$0x18010];
	v0 =	vmin.f32 v0, v22  }
0x9e: {  	s13 =	sadd.s32 $0x400, s13;
	v12 =	vmin.f32 v12, v14;
	v11 =	vmin.f32 v11, v13;
	v10 =	vmin.f32 v10, v15  }
0x9f: {  	_ =	sdelay $0x1  }
0xa0: {  	v8 =	vmin.f32 v12, v8;
	v60 =	vsub.f32 v1, v19  }
0xa1: {  	v3 =	vmin.f32 v11, v3;
	v13 =	vsub.f32 v1, v18;
	v62 =	vsub.f32 v2, v19  }
0xa2: {  	v9 =	vmin.f32 v10, v9;
	v61 =	vsub.f32 v1, v17;
	v14 =	vsub.f32 v1, v16  }
0xa3: {  	v15 =	vsub.f32 v2, v18;
	v20 =	vsub.f32 v2, v17;
	v10 =	vand.u32 $0x7FFFFFFF, v62  }
0xa4: {  	v2 =	vsub.f32 v2, v16;
	v12 =	vand.u32 $0x7FFFFFFF, v60;
	v0 =	vmin.f32 v0, v10  }
0xa5: {  	v13 =	vand.u32 $0x7FFFFFFF, v13;
	v63 =	vand.u32 $0x7FFFFFFF, v15;
	v0 =	vmin.f32 v0, v12  }
0xa6: {  	v11 =	vand.u32 $0x7FFFFFFF, v61;
	v15 =	vand.u32 $0x7FFFFFFF, v20;
	[tilespmem:$0x1FF00] =	vst v0;
	v0 =	vmin.f32 v8, v63  }
0xa7: {  	v2 =	vand.u32 $0x7FFFFFFF, v2;
	v3 =	vmin.f32 v3, v15;
	v0 =	vmin.f32 v0, v13  }
0xa8: {  	s13 =	simm.s32 $0x0;
	v14 =	vand.u32 $0x7FFFFFFF, v14;
	v2 =	vmin.f32 v9, v2;
	[tilespmem:$0x1FF10] =	vst v0;
	v0 =	vmin.f32 v3, v11  }
0xa9: {  	v3 =	vld [tilespmem:s13+$0x20];
	[tilespmem:$0x1FF20] =	vst v0;
	v0 =	vmin.f32 v2, v14  }
0xaa: {  	s14 =	simm.s32 $0x200;
	v1 =	vimm.f32 $0.0e+00;
	v2 =	vimm.f32 $0.0e+00;
	[tilespmem:$0x1FF30] =	vst v0;
	v0 =	vimm.f32 $0.0e+00  }
.LBB2_22:
0xab: {  	p0 =	sne.s32 s14, $0x7E00  }
.Ltmp10:
0xac: {  	_ = 	snop;
	(pc) =	sbr.rel @p0 .LBB2_22-.Ltmp10, $4  }
0xad: {  	_ = 	snop  }
0xae: {  	s15 =	sshra.s32 s14, $0x2;
	s14 =	sadd.s32 $0x200, s14;
	v0 =	vadd.f32 v3, v0;
	v8 =	vmul.f32 v3, v3  }
0xaf: {  	v3 =	vld [tilespmem:s15+$0x20]  }
0xb0: {  	v2 =	vadd.f32 v8, v2  }
0xb1: {  	_ =	sdelay $0x2  }
0xb2: {  	v8 =	vmul.f32 v3, v3;
	_ =	sdelay $0x1  }
0xb3: {  	v2 =	vadd.f32 v8, v2  }
0xb4: {  	v0 =	vadd.f32 v3, v0;
	v3 =	vld [tilespmem:s13+$0x2020]  }
0xb5: {  	s14 =	simm.s32 $0x200;
	[tilespmem:$0x1FEF0] =	vst v2;
	v2 =	vimm.f32 $0.0e+00  }
.LBB2_24:
0xb6: {  	p0 =	sne.s32 s14, $0x7E00  }
.Ltmp11:
0xb7: {  	_ = 	snop;
	(pc) =	sbr.rel @p0 .LBB2_24-.Ltmp11, $4  }
0xb8: {  	_ = 	snop  }
0xb9: {  	s13 =	sshra.s32 s14, $0x2;
	s14 =	sadd.s32 $0x200, s14;
	v1 =	vadd.f32 v3, v1;
	v8 =	vmul.f32 v3, v3  }
0xba: {  	v3 =	vld [tilespmem:s13+$0x2020]  }
0xbb: {  	v2 =	vadd.f32 v8, v2  }
0xbc: {  	_ =	sdelay $0x2  }
0xbd: {  	v8 =	vmul.f32 v3, v3;
	_ =	sdelay $0x1  }
0xbe: {  	s13 =	simm.s32 $0x0;
	v2 =	vadd.f32 v8, v2  }
0xbf: {  	v9 =	vld [tilespmem:s13+$0x4020];
	v1 =	vadd.f32 v3, v1  }
0xc0: {  	s14 =	simm.s32 $0x200;
	v3 =	vimm.f32 $0.0e+00;
	v8 =	vimm.f32 $0.0e+00;
	[tilespmem:$0x1FEE0] =	vst v2;
	v2 =	vimm.f32 $0.0e+00  }
.LBB2_26:
0xc1: {  	p0 =	sne.s32 s14, $0x7E00  }
.Ltmp12:
0xc2: {  	_ = 	snop;
	(pc) =	sbr.rel @p0 .LBB2_26-.Ltmp12, $4  }
0xc3: {  	_ = 	snop  }
0xc4: {  	s15 =	sshra.s32 s14, $0x2;
	s14 =	sadd.s32 $0x200, s14;
	v3 =	vadd.f32 v9, v3;
	v10 =	vmul.f32 v9, v9  }
0xc5: {  	v9 =	vld [tilespmem:s15+$0x4020]  }
0xc6: {  	v8 =	vadd.f32 v10, v8  }
0xc7: {  	_ =	sdelay $0x2  }
0xc8: {  	v10 =	vmul.f32 v9, v9;
	_ =	sdelay $0x1  }
0xc9: {  	v8 =	vadd.f32 v10, v8  }
0xca: {  	v3 =	vadd.f32 v9, v3;
	v9 =	vld [tilespmem:s13+$0x6020]  }
0xcb: {  	s14 =	simm.s32 $0x200;
	[tilespmem:$0x1FED0] =	vst v8;
	v8 =	vimm.f32 $0.0e+00  }
.LBB2_28:
0xcc: {  	p0 =	sne.s32 s14, $0x7E00  }
.Ltmp13:
0xcd: {  	_ = 	snop;
	(pc) =	sbr.rel @p0 .LBB2_28-.Ltmp13, $4  }
0xce: {  	_ = 	snop  }
0xcf: {  	s13 =	sshra.s32 s14, $0x2;
	s14 =	sadd.s32 $0x200, s14;
	v2 =	vadd.f32 v9, v2;
	v10 =	vmul.f32 v9, v9  }
0xd0: {  	v9 =	vld [tilespmem:s13+$0x6020]  }
0xd1: {  	v8 =	vadd.f32 v10, v8  }
0xd2: {  	s13 =	simm.s32 $0xFFFF0000  }
0xd3: {  	v10 =	vld [tilespmem:s13+$0x180A0]  }
0xd4: {  	v11 =	vld [tilespmem:s13+$0x18020];
	_ =	sdelay $0x1  }
0xd5: {  	v30 =	vmul.f32 $1.562500000e-02, v1;
	v2 =	vadd.f32 v9, v2;
	v9 =	vmul.f32 v9, v9  }
0xd6: {  	v31 =	vmul.f32 $1.562500000e-02, v0;
	v29 =	vmul.f32 $1.562500000e-02, v3  }
0xd7: {  	v0 =	vadd.f32 v9, v8;
	v1 =	vsub.f32 v10, v30  }
0xd8: {  	v28 =	vmul.f32 $1.562500000e-02, v2;
	v2 =	vsub.f32 v10, v29;
	v3 =	vsub.f32 v11, v31  }
0xd9: {  	v12 =	vsub.f32 v11, v30;
	v13 =	vsub.f32 v11, v29  }
0xda: {  	[tilespmem:$0x1FEC0] =	vst v0;
	v0 =	vsub.f32 v10, v31;
	v9 =	vsub.f32 v10, v28  }
0xdb: {  	s31 =	simm.s32 $0xFFFF0100;
	v10 =	vimm.f32 $3.000000010e+38;
	v11 =	vsub.f32 v11, v28;
	v14 =	vand.u32 $0x7FFFFFFF, v3  }
0xdc: {  	v8 =	vand.u32 $0x7FFFFFFF, v1;
	v3 =	vand.u32 $0x7FFFFFFF, v2;
	v12 =	vand.u32 $0x7FFFFFFF, v12;
	v1 =	vld [tilespmem:s31+$0x180A0]  }
0xdd: {  	v13 =	vand.u32 $0x7FFFFFFF, v13;
	v0 =	vand.u32 $0x7FFFFFFF, v0;
	v2 =	vmin.f32 v10, v14  }
0xde: {  	v9 =	vand.u32 $0x7FFFFFFF, v9;
	v14 =	vand.u32 $0x7FFFFFFF, v11;
	v0 =	vmin.f32 v2, v0;
	v2 =	vld [tilespmem:s31+$0x18020]  }
0xdf: {  	s13 =	simm.s32 $0xFFFC0800;
	v12 =	vmin.f32 v10, v12;
	v11 =	vmin.f32 v10, v13;
	v10 =	vmin.f32 v10, v14  }
.LBB2_30:
0xe0: {  	p0 =	sne.s32 s13, $0xFFFFFC00;
	v12 =	vmin.f32 v12, v8;
	v11 =	vmin.f32 v11, v3;
	v10 =	vmin.f32 v10, v9  }
0xe1: {  	v3 =	vsub.f32 v1, v31;
	v8 =	vsub.f32 v1, v30  }
0xe2: {  	v9 =	vsub.f32 v1, v29;
	v13 =	vsub.f32 v1, v28  }
0xe3: {  	v14 =	vsub.f32 v2, v31;
	v15 =	vsub.f32 v2, v30  }
.Ltmp14:
0xe4: {  	s14 =	sshra.s32 s13, $0x2;
	v20 =	vsub.f32 v2, v29;
	v21 =	vsub.f32 v2, v28;
	v22 =	vand.u32 $0x7FFFFFFF, v3;
	(pc) =	sbr.rel @p0 .LBB2_30-.Ltmp14, $4  }
0xe5: {  	v8 =	vand.u32 $0x7FFFFFFF, v8;
	v3 =	vand.u32 $0x7FFFFFFF, v9;
	v1 =	vld [tilespmem:s14+$0x180A0];
	v2 =	vand.u32 $0x7FFFFFFF, v14  }
0xe6: {  	v9 =	vand.u32 $0x7FFFFFFF, v13;
	v14 =	vand.u32 $0x7FFFFFFF, v15;
	v0 =	vmin.f32 v0, v2  }
0xe7: {  	v13 =	vand.u32 $0x7FFFFFFF, v20;
	v15 =	vand.u32 $0x7FFFFFFF, v21;
	v2 =	vld [tilespmem:s14+$0x18020];
	v0 =	vmin.f32 v0, v22  }
0xe8: {  	s13 =	sadd.s32 $0x400, s13;
	v12 =	vmin.f32 v12, v14;
	v11 =	vmin.f32 v11, v13;
	v10 =	vmin.f32 v10, v15  }
0xe9: {  	_ =	sdelay $0x1  }
0xea: {  	v8 =	vmin.f32 v12, v8;
	v60 =	vsub.f32 v1, v31  }
0xeb: {  	v3 =	vmin.f32 v11, v3;
	v13 =	vsub.f32 v1, v30;
	v62 =	vsub.f32 v2, v31  }
0xec: {  	v9 =	vmin.f32 v10, v9;
	v61 =	vsub.f32 v1, v29;
	v14 =	vsub.f32 v1, v28  }
0xed: {  	v15 =	vsub.f32 v2, v30;
	v20 =	vsub.f32 v2, v29;
	v10 =	vand.u32 $0x7FFFFFFF, v62  }
0xee: {  	v2 =	vsub.f32 v2, v28;
	v12 =	vand.u32 $0x7FFFFFFF, v60;
	v0 =	vmin.f32 v0, v10  }
0xef: {  	v13 =	vand.u32 $0x7FFFFFFF, v13;
	v63 =	vand.u32 $0x7FFFFFFF, v15;
	v0 =	vmin.f32 v0, v12  }
0xf0: {  	v11 =	vand.u32 $0x7FFFFFFF, v61;
	v15 =	vand.u32 $0x7FFFFFFF, v20;
	[tilespmem:$0x1FE80] =	vst v0;
	v0 =	vmin.f32 v8, v63  }
0xf1: {  	v2 =	vand.u32 $0x7FFFFFFF, v2;
	v3 =	vmin.f32 v3, v15;
	v0 =	vmin.f32 v0, v13  }
0xf2: {  	s13 =	simm.s32 $0x0;
	v14 =	vand.u32 $0x7FFFFFFF, v14;
	v2 =	vmin.f32 v9, v2;
	[tilespmem:$0x1FE90] =	vst v0;
	v0 =	vmin.f32 v3, v11  }
0xf3: {  	v3 =	vld [tilespmem:s13+$0x30];
	[tilespmem:$0x1FEA0] =	vst v0;
	v0 =	vmin.f32 v2, v14  }
0xf4: {  	s14 =	simm.s32 $0x200;
	v1 =	vimm.f32 $0.0e+00;
	v2 =	vimm.f32 $0.0e+00;
	[tilespmem:$0x1FEB0] =	vst v0;
	v0 =	vimm.f32 $0.0e+00  }
.LBB2_32:
0xf5: {  	p0 =	sne.s32 s14, $0x7E00  }
.Ltmp15:
0xf6: {  	_ = 	snop;
	(pc) =	sbr.rel @p0 .LBB2_32-.Ltmp15, $4  }
0xf7: {  	_ = 	snop  }
0xf8: {  	s15 =	sshra.s32 s14, $0x2;
	s14 =	sadd.s32 $0x200, s14;
	v0 =	vadd.f32 v3, v0;
	v8 =	vmul.f32 v3, v3  }
0xf9: {  	v3 =	vld [tilespmem:s15+$0x30]  }
0xfa: {  	v2 =	vadd.f32 v8, v2  }
0xfb: {  	_ =	sdelay $0x2  }
0xfc: {  	v8 =	vmul.f32 v3, v3;
	_ =	sdelay $0x1  }
0xfd: {  	v2 =	vadd.f32 v8, v2  }
0xfe: {  	v0 =	vadd.f32 v3, v0;
	v3 =	vld [tilespmem:s13+$0x2030]  }
0xff: {  	s14 =	simm.s32 $0x200;
	[tilespmem:$0x1FE70] =	vst v2;
	v2 =	vimm.f32 $0.0e+00  }
.LBB2_34:
0x100: {  	p0 =	sne.s32 s14, $0x7E00  }
.Ltmp16:
0x101: {  	_ = 	snop;
	(pc) =	sbr.rel @p0 .LBB2_34-.Ltmp16, $4  }
0x102: {  	_ = 	snop  }
0x103: {  	s13 =	sshra.s32 s14, $0x2;
	s14 =	sadd.s32 $0x200, s14;
	v1 =	vadd.f32 v3, v1;
	v8 =	vmul.f32 v3, v3  }
0x104: {  	v3 =	vld [tilespmem:s13+$0x2030]  }
0x105: {  	v2 =	vadd.f32 v8, v2  }
0x106: {  	_ =	sdelay $0x2  }
0x107: {  	v8 =	vmul.f32 v3, v3;
	_ =	sdelay $0x1  }
0x108: {  	s13 =	simm.s32 $0x0;
	v2 =	vadd.f32 v8, v2  }
0x109: {  	v9 =	vld [tilespmem:s13+$0x4030];
	v1 =	vadd.f32 v3, v1  }
0x10a: {  	s14 =	simm.s32 $0x200;
	v3 =	vimm.f32 $0.0e+00;
	v8 =	vimm.f32 $0.0e+00;
	[tilespmem:$0x1FE60] =	vst v2;
	v2 =	vimm.f32 $0.0e+00  }
.LBB2_36:
0x10b: {  	p0 =	sne.s32 s14, $0x7E00  }
.Ltmp17:
0x10c: {  	_ = 	snop;
	(pc) =	sbr.rel @p0 .LBB2_36-.Ltmp17, $4  }
0x10d: {  	_ = 	snop  }
0x10e: {  	s15 =	sshra.s32 s14, $0x2;
	s14 =	sadd.s32 $0x200, s14;
	v3 =	vadd.f32 v9, v3;
	v10 =	vmul.f32 v9, v9  }
0x10f: {  	v9 =	vld [tilespmem:s15+$0x4030]  }
0x110: {  	v8 =	vadd.f32 v10, v8  }
0x111: {  	_ =	sdelay $0x2  }
0x112: {  	v10 =	vmul.f32 v9, v9;
	_ =	sdelay $0x1  }
0x113: {  	v8 =	vadd.f32 v10, v8  }
0x114: {  	v3 =	vadd.f32 v9, v3;
	v9 =	vld [tilespmem:s13+$0x6030]  }
0x115: {  	s14 =	simm.s32 $0x200;
	[tilespmem:$0x1FE50] =	vst v8;
	v8 =	vimm.f32 $0.0e+00  }
.LBB2_38:
0x116: {  	p0 =	sne.s32 s14, $0x7E00  }
.Ltmp18:
0x117: {  	_ = 	snop;
	(pc) =	sbr.rel @p0 .LBB2_38-.Ltmp18, $4  }
0x118: {  	_ = 	snop  }
0x119: {  	s13 =	sshra.s32 s14, $0x2;
	s14 =	sadd.s32 $0x200, s14;
	v2 =	vadd.f32 v9, v2;
	v10 =	vmul.f32 v9, v9  }
0x11a: {  	v9 =	vld [tilespmem:s13+$0x6030]  }
0x11b: {  	v8 =	vadd.f32 v10, v8  }
0x11c: {  	s13 =	simm.s32 $0xFFFF0000  }
0x11d: {  	v10 =	vld [tilespmem:s13+$0x180B0]  }
0x11e: {  	v11 =	vld [tilespmem:s13+$0x18030];
	_ =	sdelay $0x1  }
0x11f: {  	v42 =	vmul.f32 $1.562500000e-02, v1;
	v2 =	vadd.f32 v9, v2;
	v9 =	vmul.f32 v9, v9  }
0x120: {  	v43 =	vmul.f32 $1.562500000e-02, v0;
	v41 =	vmul.f32 $1.562500000e-02, v3  }
0x121: {  	v0 =	vadd.f32 v9, v8;
	v1 =	vsub.f32 v10, v42  }
0x122: {  	v40 =	vmul.f32 $1.562500000e-02, v2;
	v2 =	vsub.f32 v10, v41;
	v3 =	vsub.f32 v11, v43  }
0x123: {  	v12 =	vsub.f32 v11, v42;
	v13 =	vsub.f32 v11, v41  }
0x124: {  	[tilespmem:$0x1FE40] =	vst v0;
	v0 =	vsub.f32 v10, v43;
	v9 =	vsub.f32 v10, v40  }
0x125: {  	s31 =	simm.s32 $0xFFFF0100;
	v10 =	vimm.f32 $3.000000010e+38;
	v11 =	vsub.f32 v11, v40;
	v14 =	vand.u32 $0x7FFFFFFF, v3  }
0x126: {  	v8 =	vand.u32 $0x7FFFFFFF, v1;
	v3 =	vand.u32 $0x7FFFFFFF, v2;
	v12 =	vand.u32 $0x7FFFFFFF, v12;
	v1 =	vld [tilespmem:s31+$0x180B0]  }
0x127: {  	v13 =	vand.u32 $0x7FFFFFFF, v13;
	v0 =	vand.u32 $0x7FFFFFFF, v0;
	v2 =	vmin.f32 v10, v14  }
0x128: {  	v9 =	vand.u32 $0x7FFFFFFF, v9;
	v14 =	vand.u32 $0x7FFFFFFF, v11;
	v0 =	vmin.f32 v2, v0;
	v2 =	vld [tilespmem:s31+$0x18030]  }
0x129: {  	s13 =	simm.s32 $0xFFFC0800;
	v12 =	vmin.f32 v10, v12;
	v11 =	vmin.f32 v10, v13;
	v10 =	vmin.f32 v10, v14  }
.LBB2_40:
0x12a: {  	p0 =	sne.s32 s13, $0xFFFFFC00;
	v12 =	vmin.f32 v12, v8;
	v11 =	vmin.f32 v11, v3;
	v10 =	vmin.f32 v10, v9  }
0x12b: {  	v3 =	vsub.f32 v1, v43;
	v8 =	vsub.f32 v1, v42  }
0x12c: {  	v9 =	vsub.f32 v1, v41;
	v13 =	vsub.f32 v1, v40  }
0x12d: {  	v14 =	vsub.f32 v2, v43;
	v15 =	vsub.f32 v2, v42  }
.Ltmp19:
0x12e: {  	s14 =	sshra.s32 s13, $0x2;
	v20 =	vsub.f32 v2, v41;
	v21 =	vsub.f32 v2, v40;
	v22 =	vand.u32 $0x7FFFFFFF, v3;
	(pc) =	sbr.rel @p0 .LBB2_40-.Ltmp19, $4  }
0x12f: {  	v8 =	vand.u32 $0x7FFFFFFF, v8;
	v3 =	vand.u32 $0x7FFFFFFF, v9;
	v1 =	vld [tilespmem:s14+$0x180B0];
	v2 =	vand.u32 $0x7FFFFFFF, v14  }
0x130: {  	v9 =	vand.u32 $0x7FFFFFFF, v13;
	v14 =	vand.u32 $0x7FFFFFFF, v15;
	v0 =	vmin.f32 v0, v2  }
0x131: {  	v13 =	vand.u32 $0x7FFFFFFF, v20;
	v15 =	vand.u32 $0x7FFFFFFF, v21;
	v2 =	vld [tilespmem:s14+$0x18030];
	v0 =	vmin.f32 v0, v22  }
0x132: {  	s13 =	sadd.s32 $0x400, s13;
	v12 =	vmin.f32 v12, v14;
	v11 =	vmin.f32 v11, v13;
	v10 =	vmin.f32 v10, v15  }
0x133: {  	_ =	sdelay $0x1  }
0x134: {  	v8 =	vmin.f32 v12, v8;
	v60 =	vsub.f32 v1, v43  }
0x135: {  	v3 =	vmin.f32 v11, v3;
	v13 =	vsub.f32 v1, v42;
	v62 =	vsub.f32 v2, v43  }
0x136: {  	v9 =	vmin.f32 v10, v9;
	v61 =	vsub.f32 v1, v41;
	v14 =	vsub.f32 v1, v40  }
0x137: {  	v15 =	vsub.f32 v2, v42;
	v20 =	vsub.f32 v2, v41;
	v10 =	vand.u32 $0x7FFFFFFF, v62  }
0x138: {  	v2 =	vsub.f32 v2, v40;
	v12 =	vand.u32 $0x7FFFFFFF, v60;
	v0 =	vmin.f32 v0, v10  }
0x139: {  	v13 =	vand.u32 $0x7FFFFFFF, v13;
	v63 =	vand.u32 $0x7FFFFFFF, v15;
	v0 =	vmin.f32 v0, v12  }
0x13a: {  	v11 =	vand.u32 $0x7FFFFFFF, v61;
	v15 =	vand.u32 $0x7FFFFFFF, v20;
	[tilespmem:$0x1FE00] =	vst v0;
	v0 =	vmin.f32 v8, v63  }
0x13b: {  	v2 =	vand.u32 $0x7FFFFFFF, v2;
	v3 =	vmin.f32 v3, v15;
	v0 =	vmin.f32 v0, v13  }
0x13c: {  	s13 =	simm.s32 $0x0;
	v14 =	vand.u32 $0x7FFFFFFF, v14;
	v2 =	vmin.f32 v9, v2;
	[tilespmem:$0x1FE10] =	vst v0;
	v0 =	vmin.f32 v3, v11  }
0x13d: {  	v3 =	vld [tilespmem:s13+$0x40];
	[tilespmem:$0x1FE20] =	vst v0;
	v0 =	vmin.f32 v2, v14  }
0x13e: {  	s14 =	simm.s32 $0x200;
	v1 =	vimm.f32 $0.0e+00;
	v2 =	vimm.f32 $0.0e+00;
	[tilespmem:$0x1FE30] =	vst v0;
	v0 =	vimm.f32 $0.0e+00  }
.LBB2_42:
0x13f: {  	p0 =	sne.s32 s14, $0x7E00  }
.Ltmp20:
0x140: {  	_ = 	snop;
	(pc) =	sbr.rel @p0 .LBB2_42-.Ltmp20, $4  }
0x141: {  	_ = 	snop  }
0x142: {  	s15 =	sshra.s32 s14, $0x2;
	s14 =	sadd.s32 $0x200, s14;
	v0 =	vadd.f32 v3, v0;
	v8 =	vmul.f32 v3, v3  }
0x143: {  	v3 =	vld [tilespmem:s15+$0x40]  }
0x144: {  	v2 =	vadd.f32 v8, v2  }
0x145: {  	_ =	sdelay $0x2  }
0x146: {  	v8 =	vmul.f32 v3, v3;
	_ =	sdelay $0x1  }
0x147: {  	v2 =	vadd.f32 v8, v2  }
0x148: {  	v0 =	vadd.f32 v3, v0;
	v3 =	vld [tilespmem:s13+$0x2040]  }
0x149: {  	s14 =	simm.s32 $0x200;
	[tilespmem:$0x1FDF0] =	vst v2;
	v2 =	vimm.f32 $0.0e+00  }
.LBB2_44:
0x14a: {  	p0 =	sne.s32 s14, $0x7E00  }
.Ltmp21:
0x14b: {  	_ = 	snop;
	(pc) =	sbr.rel @p0 .LBB2_44-.Ltmp21, $4  }
0x14c: {  	_ = 	snop  }
0x14d: {  	s13 =	sshra.s32 s14, $0x2;
	s14 =	sadd.s32 $0x200, s14;
	v1 =	vadd.f32 v3, v1;
	v8 =	vmul.f32 v3, v3  }
0x14e: {  	v3 =	vld [tilespmem:s13+$0x2040]  }
0x14f: {  	v2 =	vadd.f32 v8, v2  }
0x150: {  	_ =	sdelay $0x2  }
0x151: {  	v8 =	vmul.f32 v3, v3;
	_ =	sdelay $0x1  }
0x152: {  	s13 =	simm.s32 $0x0;
	v2 =	vadd.f32 v8, v2  }
0x153: {  	v9 =	vld [tilespmem:s13+$0x4040];
	v1 =	vadd.f32 v3, v1  }
0x154: {  	s14 =	simm.s32 $0x200;
	v3 =	vimm.f32 $0.0e+00;
	v8 =	vimm.f32 $0.0e+00;
	[tilespmem:$0x1FDE0] =	vst v2;
	v2 =	vimm.f32 $0.0e+00  }
.LBB2_46:
0x155: {  	p0 =	sne.s32 s14, $0x7E00  }
.Ltmp22:
0x156: {  	_ = 	snop;
	(pc) =	sbr.rel @p0 .LBB2_46-.Ltmp22, $4  }
0x157: {  	_ = 	snop  }
0x158: {  	s15 =	sshra.s32 s14, $0x2;
	s14 =	sadd.s32 $0x200, s14;
	v3 =	vadd.f32 v9, v3;
	v10 =	vmul.f32 v9, v9  }
0x159: {  	v9 =	vld [tilespmem:s15+$0x4040]  }
0x15a: {  	v8 =	vadd.f32 v10, v8  }
0x15b: {  	_ =	sdelay $0x2  }
0x15c: {  	v10 =	vmul.f32 v9, v9;
	_ =	sdelay $0x1  }
0x15d: {  	v8 =	vadd.f32 v10, v8  }
0x15e: {  	v3 =	vadd.f32 v9, v3;
	v9 =	vld [tilespmem:s13+$0x6040]  }
0x15f: {  	s14 =	simm.s32 $0x200;
	[tilespmem:$0x1FDD0] =	vst v8;
	v8 =	vimm.f32 $0.0e+00  }
.LBB2_48:
0x160: {  	p0 =	sne.s32 s14, $0x7E00  }
.Ltmp23:
0x161: {  	_ = 	snop;
	(pc) =	sbr.rel @p0 .LBB2_48-.Ltmp23, $4  }
0x162: {  	_ = 	snop  }
0x163: {  	s13 =	sshra.s32 s14, $0x2;
	s14 =	sadd.s32 $0x200, s14;
	v2 =	vadd.f32 v9, v2;
	v10 =	vmul.f32 v9, v9  }
0x164: {  	v9 =	vld [tilespmem:s13+$0x6040]  }
0x165: {  	v8 =	vadd.f32 v10, v8  }
0x166: {  	s13 =	simm.s32 $0xFFFF0000  }
0x167: {  	v10 =	vld [tilespmem:s13+$0x180C0]  }
0x168: {  	v11 =	vld [tilespmem:s13+$0x18040];
	_ =	sdelay $0x1  }
0x169: {  	v54 =	vmul.f32 $1.562500000e-02, v1;
	v2 =	vadd.f32 v9, v2;
	v9 =	vmul.f32 v9, v9  }
0x16a: {  	v55 =	vmul.f32 $1.562500000e-02, v0;
	v53 =	vmul.f32 $1.562500000e-02, v3  }
0x16b: {  	v0 =	vadd.f32 v9, v8;
	v1 =	vsub.f32 v10, v54  }
0x16c: {  	v52 =	vmul.f32 $1.562500000e-02, v2;
	v2 =	vsub.f32 v10, v53;
	v3 =	vsub.f32 v11, v55  }
0x16d: {  	v12 =	vsub.f32 v11, v54;
	v13 =	vsub.f32 v11, v53  }
0x16e: {  	[tilespmem:$0x1FDC0] =	vst v0;
	v0 =	vsub.f32 v10, v55;
	v9 =	vsub.f32 v10, v52  }
0x16f: {  	s31 =	simm.s32 $0xFFFF0100;
	v10 =	vimm.f32 $3.000000010e+38;
	v11 =	vsub.f32 v11, v52;
	v14 =	vand.u32 $0x7FFFFFFF, v3  }
0x170: {  	v8 =	vand.u32 $0x7FFFFFFF, v1;
	v3 =	vand.u32 $0x7FFFFFFF, v2;
	v12 =	vand.u32 $0x7FFFFFFF, v12;
	v1 =	vld [tilespmem:s31+$0x180C0]  }
0x171: {  	v13 =	vand.u32 $0x7FFFFFFF, v13;
	v0 =	vand.u32 $0x7FFFFFFF, v0;
	v2 =	vmin.f32 v10, v14  }
0x172: {  	v9 =	vand.u32 $0x7FFFFFFF, v9;
	v14 =	vand.u32 $0x7FFFFFFF, v11;
	v0 =	vmin.f32 v2, v0;
	v2 =	vld [tilespmem:s31+$0x18040]  }
0x173: {  	s13 =	simm.s32 $0xFFFC0800;
	v12 =	vmin.f32 v10, v12;
	v11 =	vmin.f32 v10, v13;
	v10 =	vmin.f32 v10, v14  }
.LBB2_50:
0x174: {  	p0 =	sne.s32 s13, $0xFFFFFC00;
	v12 =	vmin.f32 v12, v8;
	v11 =	vmin.f32 v11, v3;
	v10 =	vmin.f32 v10, v9  }
0x175: {  	v3 =	vsub.f32 v1, v55;
	v8 =	vsub.f32 v1, v54  }
0x176: {  	v9 =	vsub.f32 v1, v53;
	v13 =	vsub.f32 v1, v52  }
0x177: {  	v14 =	vsub.f32 v2, v55;
	v15 =	vsub.f32 v2, v54  }
.Ltmp24:
0x178: {  	s14 =	sshra.s32 s13, $0x2;
	v20 =	vsub.f32 v2, v53;
	v21 =	vsub.f32 v2, v52;
	v22 =	vand.u32 $0x7FFFFFFF, v3;
	(pc) =	sbr.rel @p0 .LBB2_50-.Ltmp24, $4  }
0x179: {  	v8 =	vand.u32 $0x7FFFFFFF, v8;
	v3 =	vand.u32 $0x7FFFFFFF, v9;
	v1 =	vld [tilespmem:s14+$0x180C0];
	v2 =	vand.u32 $0x7FFFFFFF, v14  }
0x17a: {  	v9 =	vand.u32 $0x7FFFFFFF, v13;
	v14 =	vand.u32 $0x7FFFFFFF, v15;
	v0 =	vmin.f32 v0, v2  }
0x17b: {  	v13 =	vand.u32 $0x7FFFFFFF, v20;
	v15 =	vand.u32 $0x7FFFFFFF, v21;
	v2 =	vld [tilespmem:s14+$0x18040];
	v0 =	vmin.f32 v0, v22  }
0x17c: {  	s13 =	sadd.s32 $0x400, s13;
	v12 =	vmin.f32 v12, v14;
	v11 =	vmin.f32 v11, v13;
	v10 =	vmin.f32 v10, v15  }
0x17d: {  	_ =	sdelay $0x1  }
0x17e: {  	v8 =	vmin.f32 v12, v8;
	v60 =	vsub.f32 v1, v55  }
0x17f: {  	v3 =	vmin.f32 v11, v3;
	v13 =	vsub.f32 v1, v54;
	v62 =	vsub.f32 v2, v55  }
0x180: {  	v9 =	vmin.f32 v10, v9;
	v61 =	vsub.f32 v1, v53;
	v14 =	vsub.f32 v1, v52  }
0x181: {  	v15 =	vsub.f32 v2, v54;
	v20 =	vsub.f32 v2, v53;
	v10 =	vand.u32 $0x7FFFFFFF, v62  }
0x182: {  	v2 =	vsub.f32 v2, v52;
	v12 =	vand.u32 $0x7FFFFFFF, v60;
	v0 =	vmin.f32 v0, v10  }
0x183: {  	v13 =	vand.u32 $0x7FFFFFFF, v13;
	v63 =	vand.u32 $0x7FFFFFFF, v15;
	v0 =	vmin.f32 v0, v12  }
0x184: {  	v11 =	vand.u32 $0x7FFFFFFF, v61;
	v15 =	vand.u32 $0x7FFFFFFF, v20;
	[tilespmem:$0x1FD80] =	vst v0;
	v0 =	vmin.f32 v8, v63  }
0x185: {  	v2 =	vand.u32 $0x7FFFFFFF, v2;
	v3 =	vmin.f32 v3, v15;
	v0 =	vmin.f32 v0, v13  }
0x186: {  	s13 =	simm.s32 $0x0;
	v14 =	vand.u32 $0x7FFFFFFF, v14;
	v2 =	vmin.f32 v9, v2;
	[tilespmem:$0x1FD90] =	vst v0;
	v0 =	vmin.f32 v3, v11  }
0x187: {  	v3 =	vld [tilespmem:s13+$0x50];
	[tilespmem:$0x1FDA0] =	vst v0;
	v0 =	vmin.f32 v2, v14  }
0x188: {  	s14 =	simm.s32 $0x200;
	v1 =	vimm.f32 $0.0e+00;
	v2 =	vimm.f32 $0.0e+00;
	[tilespmem:$0x1FDB0] =	vst v0;
	v0 =	vimm.f32 $0.0e+00  }
.LBB2_52:
0x189: {  	p0 =	sne.s32 s14, $0x7E00  }
.Ltmp25:
0x18a: {  	_ = 	snop;
	(pc) =	sbr.rel @p0 .LBB2_52-.Ltmp25, $4  }
0x18b: {  	_ = 	snop  }
0x18c: {  	s15 =	sshra.s32 s14, $0x2;
	s14 =	sadd.s32 $0x200, s14;
	v0 =	vadd.f32 v3, v0;
	v8 =	vmul.f32 v3, v3  }
0x18d: {  	v3 =	vld [tilespmem:s15+$0x50]  }
0x18e: {  	v2 =	vadd.f32 v8, v2  }
0x18f: {  	_ =	sdelay $0x2  }
0x190: {  	v8 =	vmul.f32 v3, v3;
	_ =	sdelay $0x1  }
0x191: {  	v2 =	vadd.f32 v8, v2  }
0x192: {  	v0 =	vadd.f32 v3, v0;
	v3 =	vld [tilespmem:s13+$0x2050]  }
0x193: {  	s14 =	simm.s32 $0x200;
	[tilespmem:$0x1FD70] =	vst v2;
	v2 =	vimm.f32 $0.0e+00  }
.LBB2_54:
0x194: {  	p0 =	sne.s32 s14, $0x7E00  }
.Ltmp26:
0x195: {  	_ = 	snop;
	(pc) =	sbr.rel @p0 .LBB2_54-.Ltmp26, $4  }
0x196: {  	_ = 	snop  }
0x197: {  	s13 =	sshra.s32 s14, $0x2;
	s14 =	sadd.s32 $0x200, s14;
	v1 =	vadd.f32 v3, v1;
	v8 =	vmul.f32 v3, v3  }
0x198: {  	v3 =	vld [tilespmem:s13+$0x2050]  }
0x199: {  	v2 =	vadd.f32 v8, v2  }
0x19a: {  	_ =	sdelay $0x2  }
0x19b: {  	v8 =	vmul.f32 v3, v3;
	_ =	sdelay $0x1  }
0x19c: {  	s13 =	simm.s32 $0x0;
	v2 =	vadd.f32 v8, v2  }
0x19d: {  	v9 =	vimm.f32 $0.0e+00;
	v8 =	vld [tilespmem:s13+$0x4050]  }
0x19e: {  	s14 =	simm.s32 $0x200;
	v1 =	vadd.f32 v3, v1;
	v3 =	vimm.f32 $0.0e+00;
	[tilespmem:$0x1FD60] =	vst v2;
	v2 =	vimm.f32 $0.0e+00  }
.LBB2_56:
0x19f: {  	p0 =	sne.s32 s14, $0x7E00  }
.Ltmp27:
0x1a0: {  	_ = 	snop;
	(pc) =	sbr.rel @p0 .LBB2_56-.Ltmp27, $4  }
0x1a1: {  	_ = 	snop  }
0x1a2: {  	s15 =	sshra.s32 s14, $0x2;
	s14 =	sadd.s32 $0x200, s14;
	v3 =	vadd.f32 v8, v3;
	v10 =	vmul.f32 v8, v8  }
0x1a3: {  	v8 =	vld [tilespmem:s15+$0x4050]  }
0x1a4: {  	v9 =	vadd.f32 v10, v9  }
0x1a5: {  	_ =	sdelay $0x2  }
0x1a6: {  	v10 =	vmul.f32 v8, v8;
	_ =	sdelay $0x1  }
0x1a7: {  	v8 =	vadd.f32 v8, v3;
	v3 =	vadd.f32 v10, v9;
	_ =	sdelay $0x1  }
0x1a8: {  	[tilespmem:$0x1FD50] =	vst v3;
	v3 =	vld [tilespmem:s13+$0x6050]  }
0x1a9: {  	s14 =	simm.s32 $0x200;
	v9 =	vimm.f32 $0.0e+00  }
.LBB2_58:
0x1aa: {  	p0 =	sne.s32 s14, $0x7E00  }
.Ltmp28:
0x1ab: {  	_ = 	snop;
	(pc) =	sbr.rel @p0 .LBB2_58-.Ltmp28, $4  }
0x1ac: {  	_ = 	snop  }
0x1ad: {  	s13 =	sshra.s32 s14, $0x2;
	s14 =	sadd.s32 $0x200, s14;
	v2 =	vadd.f32 v3, v2;
	v10 =	vmul.f32 v3, v3  }
0x1ae: {  	v3 =	vld [tilespmem:s13+$0x6050]  }
0x1af: {  	v9 =	vadd.f32 v10, v9  }
0x1b0: {  	s13 =	simm.s32 $0xFFFF0000  }
0x1b1: {  	v10 =	vld [tilespmem:s13+$0x180D0]  }
0x1b2: {  	v13 =	vld [tilespmem:s13+$0x18050]  }
0x1b3: {  	v12 =	vmul.f32 v3, v3  }
0x1b4: {  	v11 =	vadd.f32 v3, v2;
	v3 =	vmul.f32 $1.562500000e-02, v0;
	v2 =	vmul.f32 $1.562500000e-02, v1  }
0x1b5: {  	v1 =	vmul.f32 $1.562500000e-02, v8;
	v63 =	vadd.f32 v12, v9  }
0x1b6: {  	v0 =	vmul.f32 $1.562500000e-02, v11;
	v8 =	vsub.f32 v10, v3;
	v9 =	vsub.f32 v10, v2  }
0x1b7: {  	v11 =	vsub.f32 v10, v1;
	v15 =	vsub.f32 v13, v2  }
0x1b8: {  	v21 =	vimm.f32 $3.000000010e+38;
	v14 =	vsub.f32 v10, v0;
	v10 =	vsub.f32 v13, v3  }
0x1b9: {  	s31 =	simm.s32 $0xFFFF0100;
	v20 =	vsub.f32 v13, v1;
	v22 =	vsub.f32 v13, v0;
	v8 =	vand.u32 $0x7FFFFFFF, v8  }
0x1ba: {  	v12 =	vand.u32 $0x7FFFFFFF, v9;
	v15 =	vand.u32 $0x7FFFFFFF, v15;
	v9 =	vld [tilespmem:s31+$0x180D0];
	v13 =	vand.u32 $0x7FFFFFFF, v10  }
0x1bb: {  	v10 =	vand.u32 $0x7FFFFFFF, v11;
	v22 =	vand.u32 $0x7FFFFFFF, v22;
	v11 =	vmin.f32 v21, v13  }
0x1bc: {  	v13 =	vand.u32 $0x7FFFFFFF, v14;
	v14 =	vand.u32 $0x7FFFFFFF, v20;
	v8 =	vmin.f32 v11, v8;
	v11 =	vld [tilespmem:s31+$0x18050]  }
0x1bd: {  	s13 =	simm.s32 $0xFFFC0800;
	v20 =	vmin.f32 v21, v15;
	v15 =	vmin.f32 v21, v14;
	v14 =	vmin.f32 v21, v22  }
.LBB2_60:
0x1be: {  	p0 =	sne.s32 s13, $0xFFFFFC00;
	v20 =	vmin.f32 v20, v12;
	v15 =	vmin.f32 v15, v10;
	v14 =	vmin.f32 v14, v13  }
0x1bf: {  	v10 =	vsub.f32 v9, v3;
	v12 =	vsub.f32 v9, v2  }
0x1c0: {  	v13 =	vsub.f32 v9, v1;
	v21 =	vsub.f32 v9, v0  }
0x1c1: {  	v22 =	vsub.f32 v11, v3;
	v23 =	vsub.f32 v11, v2  }
.Ltmp29:
0x1c2: {  	s14 =	sshra.s32 s13, $0x2;
	v24 =	vsub.f32 v11, v1;
	v25 =	vsub.f32 v11, v0;
	v26 =	vand.u32 $0x7FFFFFFF, v10;
	(pc) =	sbr.rel @p0 .LBB2_60-.Ltmp29, $4  }
0x1c3: {  	v12 =	vand.u32 $0x7FFFFFFF, v12;
	v10 =	vand.u32 $0x7FFFFFFF, v13;
	v9 =	vld [tilespmem:s14+$0x180D0];
	v11 =	vand.u32 $0x7FFFFFFF, v22  }
0x1c4: {  	v13 =	vand.u32 $0x7FFFFFFF, v21;
	v22 =	vand.u32 $0x7FFFFFFF, v23;
	v8 =	vmin.f32 v8, v11  }
0x1c5: {  	v21 =	vand.u32 $0x7FFFFFFF, v24;
	v23 =	vand.u32 $0x7FFFFFFF, v25;
	v11 =	vld [tilespmem:s14+$0x18050];
	v8 =	vmin.f32 v8, v26  }
0x1c6: {  	s13 =	sadd.s32 $0x400, s13;
	v20 =	vmin.f32 v20, v22;
	v15 =	vmin.f32 v15, v21;
	v14 =	vmin.f32 v14, v23  }
0x1c7: {  	_ = 	snop  }
0x1c8: {  	v12 =	vmin.f32 v20, v12;
	v20 =	vsub.f32 v9, v3;
	v21 =	vsub.f32 v9, v2  }
0x1c9: {  	v15 =	vmin.f32 v15, v10;
	v22 =	vsub.f32 v9, v1;
	v9 =	vsub.f32 v9, v0  }
0x1ca: {  	v14 =	vmin.f32 v14, v13;
	v13 =	vsub.f32 v11, v3;
	v23 =	vsub.f32 v11, v2  }
0x1cb: {  	v10 =	vimm.f32 $0.0e+00;
	v24 =	vsub.f32 v11, v1;
	v11 =	vsub.f32 v11, v0  }
0x1cc: {  	v20 =	vand.u32 $0x7FFFFFFF, v20;
	v21 =	vand.u32 $0x7FFFFFFF, v21;
	v22 =	vand.u32 $0x7FFFFFFF, v22  }
0x1cd: {  	v9 =	vand.u32 $0x7FFFFFFF, v9;
	v13 =	vand.u32 $0x7FFFFFFF, v13;
	v23 =	vand.u32 $0x7FFFFFFF, v23  }
0x1ce: {  	v24 =	vand.u32 $0x7FFFFFFF, v24;
	v11 =	vand.u32 $0x7FFFFFFF, v11;
	v8 =	vmin.f32 v8, v13  }
0x1cf: {  	s13 =	simm.s32 $0x0;
	v15 =	vmin.f32 v15, v24;
	v14 =	vmin.f32 v14, v11;
	v13 =	vmin.f32 v8, v20  }
0x1d0: {  	v8 =	vmin.f32 v12, v23;
	v11 =	vmin.f32 v15, v22;
	v9 =	vmin.f32 v14, v9;
	v15 =	vld [tilespmem:s13+$0x60]  }
0x1d1: {  	s14 =	simm.s32 $0x200;
	v14 =	vimm.f32 $0.0e+00;
	v12 =	vmin.f32 v8, v21;
	v8 =	vimm.f32 $0.0e+00  }
.LBB2_62:
0x1d2: {  	p0 =	sne.s32 s14, $0x7E00  }
.Ltmp30:
0x1d3: {  	_ = 	snop;
	(pc) =	sbr.rel @p0 .LBB2_62-.Ltmp30, $4  }
0x1d4: {  	_ = 	snop  }
0x1d5: {  	s15 =	sshra.s32 s14, $0x2;
	s14 =	sadd.s32 $0x200, s14;
	v8 =	vadd.f32 v15, v8;
	v20 =	vmul.f32 v15, v15  }
0x1d6: {  	v15 =	vld [tilespmem:s15+$0x60]  }
0x1d7: {  	v14 =	vadd.f32 v20, v14  }
0x1d8: {  	_ =	sdelay $0x2  }
0x1d9: {  	v20 =	vmul.f32 v15, v15;
	_ =	sdelay $0x1  }
0x1da: {  	v15 =	vadd.f32 v15, v8;
	v8 =	vadd.f32 v20, v14;
	v20 =	vld [tilespmem:s13+$0x2060]  }
0x1db: {  	s14 =	simm.s32 $0x200;
	v14 =	vimm.f32 $0.0e+00  }
.LBB2_64:
0x1dc: {  	p0 =	sne.s32 s14, $0x7E00  }
.Ltmp31:
0x1dd: {  	_ = 	snop;
	(pc) =	sbr.rel @p0 .LBB2_64-.Ltmp31, $4  }
0x1de: {  	_ = 	snop  }
0x1df: {  	s13 =	sshra.s32 s14, $0x2;
	s14 =	sadd.s32 $0x200, s14;
	v10 =	vadd.f32 v20, v10;
	v21 =	vmul.f32 v20, v20  }
0x1e0: {  	v20 =	vld [tilespmem:s13+$0x2060]  }
0x1e1: {  	v14 =	vadd.f32 v21, v14  }
0x1e2: {  	_ =	sdelay $0x2  }
0x1e3: {  	s13 =	simm.s32 $0x0;
	v21 =	vmul.f32 v20, v20  }
0x1e4: {  	v22 =	vimm.f32 $0.0e+00;
	v23 =	vld [tilespmem:s13+$0x4060];
	v20 =	vadd.f32 v20, v10  }
0x1e5: {  	s14 =	simm.s32 $0x200;
	v10 =	vadd.f32 v21, v14;
	v21 =	vimm.f32 $0.0e+00;
	v14 =	vimm.f32 $0.0e+00  }
.LBB2_66:
0x1e6: {  	p0 =	sne.s32 s14, $0x7E00  }
.Ltmp32:
0x1e7: {  	_ = 	snop;
	(pc) =	sbr.rel @p0 .LBB2_66-.Ltmp32, $4  }
0x1e8: {  	_ = 	snop  }
0x1e9: {  	s15 =	sshra.s32 s14, $0x2;
	s14 =	sadd.s32 $0x200, s14;
	v14 =	vadd.f32 v23, v14;
	v24 =	vmul.f32 v23, v23  }
0x1ea: {  	v23 =	vld [tilespmem:s15+$0x4060]  }
0x1eb: {  	v22 =	vadd.f32 v24, v22  }
0x1ec: {  	_ =	sdelay $0x2  }
0x1ed: {  	v25 =	vmul.f32 v23, v23;
	_ =	sdelay $0x1  }
0x1ee: {  	v24 =	vadd.f32 v23, v14;
	v14 =	vadd.f32 v25, v22;
	v22 =	vld [tilespmem:s13+$0x6060]  }
0x1ef: {  	s14 =	simm.s32 $0x200;
	v25 =	vimm.f32 $0.0e+00  }
.LBB2_68:
0x1f0: {  	p0 =	sne.s32 s14, $0x7E00  }
.Ltmp33:
0x1f1: {  	_ = 	snop;
	(pc) =	sbr.rel @p0 .LBB2_68-.Ltmp33, $4  }
0x1f2: {  	_ = 	snop  }
0x1f3: {  	s13 =	sshra.s32 s14, $0x2;
	s14 =	sadd.s32 $0x200, s14;
	v21 =	vadd.f32 v22, v21;
	v23 =	vmul.f32 v22, v22  }
0x1f4: {  	v22 =	vld [tilespmem:s13+$0x6060]  }
0x1f5: {  	v25 =	vadd.f32 v23, v25  }
0x1f6: {  	s13 =	simm.s32 $0xFFFF0000  }
0x1f7: {  	v26 =	vld [tilespmem:s13+$0x180E0]  }
0x1f8: {  	v32 =	vld [tilespmem:s13+$0x18060]  }
0x1f9: {  	v27 =	vadd.f32 v22, v21;
	v21 =	vmul.f32 v22, v22  }
0x1fa: {  	v23 =	vmul.f32 $1.562500000e-02, v15;
	v22 =	vmul.f32 $1.562500000e-02, v20  }
0x1fb: {  	v15 =	vadd.f32 v21, v25;
	v21 =	vmul.f32 $1.562500000e-02, v24  }
0x1fc: {  	v20 =	vmul.f32 $1.562500000e-02, v27;
	v24 =	vsub.f32 v26, v23;
	v25 =	vsub.f32 v26, v22  }
0x1fd: {  	v35 =	vsub.f32 v32, v22;
	v27 =	vsub.f32 v26, v21  }
0x1fe: {  	v34 =	vimm.f32 $3.000000010e+38;
	v33 =	vsub.f32 v26, v20;
	v26 =	vsub.f32 v32, v23  }
0x1ff: {  	s31 =	simm.s32 $0xFFFF0100;
	v36 =	vsub.f32 v32, v21;
	v37 =	vsub.f32 v32, v20;
	v24 =	vand.u32 $0x7FFFFFFF, v24  }
0x200: {  	v32 =	vand.u32 $0x7FFFFFFF, v25;
	v35 =	vand.u32 $0x7FFFFFFF, v35;
	v25 =	vld [tilespmem:s31+$0x180E0];
	v38 =	vand.u32 $0x7FFFFFFF, v26  }
0x201: {  	v26 =	vand.u32 $0x7FFFFFFF, v27;
	v33 =	vand.u32 $0x7FFFFFFF, v33;
	v27 =	vmin.f32 v34, v38  }
0x202: {  	v62 =	vand.u32 $0x7FFFFFFF, v36;
	v37 =	vand.u32 $0x7FFFFFFF, v37;
	v24 =	vmin.f32 v27, v24;
	v27 =	vld [tilespmem:s31+$0x18060]  }
0x203: {  	s13 =	simm.s32 $0xFFFC0800;
	v36 =	vmin.f32 v34, v35;
	v35 =	vmin.f32 v34, v62;
	v34 =	vmin.f32 v34, v37  }
.LBB2_70:
0x204: {  	p0 =	sne.s32 s13, $0xFFFFFC00;
	v36 =	vmin.f32 v36, v32;
	v35 =	vmin.f32 v35, v26;
	v34 =	vmin.f32 v34, v33  }
0x205: {  	v26 =	vsub.f32 v25, v23;
	v32 =	vsub.f32 v25, v22  }
0x206: {  	v33 =	vsub.f32 v25, v21;
	v37 =	vsub.f32 v25, v20  }
0x207: {  	v38 =	vsub.f32 v27, v23;
	v39 =	vsub.f32 v27, v22  }
.Ltmp34:
0x208: {  	s14 =	sshra.s32 s13, $0x2;
	v44 =	vsub.f32 v27, v21;
	v45 =	vsub.f32 v27, v20;
	v46 =	vand.u32 $0x7FFFFFFF, v26;
	(pc) =	sbr.rel @p0 .LBB2_70-.Ltmp34, $4  }
0x209: {  	v32 =	vand.u32 $0x7FFFFFFF, v32;
	v26 =	vand.u32 $0x7FFFFFFF, v33;
	v25 =	vld [tilespmem:s14+$0x180E0];
	v27 =	vand.u32 $0x7FFFFFFF, v38  }
0x20a: {  	v33 =	vand.u32 $0x7FFFFFFF, v37;
	v38 =	vand.u32 $0x7FFFFFFF, v39;
	v24 =	vmin.f32 v24, v27  }
0x20b: {  	v37 =	vand.u32 $0x7FFFFFFF, v44;
	v39 =	vand.u32 $0x7FFFFFFF, v45;
	v27 =	vld [tilespmem:s14+$0x18060];
	v24 =	vmin.f32 v24, v46  }
0x20c: {  	s13 =	sadd.s32 $0x400, s13;
	v36 =	vmin.f32 v36, v38;
	v35 =	vmin.f32 v35, v37;
	v34 =	vmin.f32 v34, v39  }
0x20d: {  	_ = 	snop  }
0x20e: {  	v32 =	vmin.f32 v36, v32;
	v61 =	vsub.f32 v25, v23;
	v37 =	vsub.f32 v25, v22  }
0x20f: {  	v35 =	vmin.f32 v35, v26;
	v38 =	vsub.f32 v25, v21;
	v25 =	vsub.f32 v25, v20  }
0x210: {  	v34 =	vmin.f32 v34, v33;
	v62 =	vsub.f32 v27, v23;
	v39 =	vsub.f32 v27, v22  }
0x211: {  	v26 =	vimm.f32 $0.0e+00;
	v44 =	vsub.f32 v27, v21;
	v27 =	vsub.f32 v27, v20  }
0x212: {  	v36 =	vand.u32 $0x7FFFFFFF, v61;
	v37 =	vand.u32 $0x7FFFFFFF, v37;
	v38 =	vand.u32 $0x7FFFFFFF, v38  }
0x213: {  	v25 =	vand.u32 $0x7FFFFFFF, v25;
	v33 =	vand.u32 $0x7FFFFFFF, v62;
	v39 =	vand.u32 $0x7FFFFFFF, v39  }
0x214: {  	v44 =	vand.u32 $0x7FFFFFFF, v44;
	v27 =	vand.u32 $0x7FFFFFFF, v27;
	v24 =	vmin.f32 v24, v33  }
0x215: {  	s13 =	simm.s32 $0x0;
	v35 =	vmin.f32 v35, v44;
	v34 =	vmin.f32 v34, v27;
	v33 =	vmin.f32 v24, v36  }
0x216: {  	v24 =	vmin.f32 v32, v39;
	v27 =	vmin.f32 v35, v38;
	v25 =	vmin.f32 v34, v25;
	v35 =	vld [tilespmem:s13+$0x70]  }
0x217: {  	s14 =	simm.s32 $0x200;
	v34 =	vimm.f32 $0.0e+00;
	v32 =	vmin.f32 v24, v37;
	v24 =	vimm.f32 $0.0e+00  }
.LBB2_72:
0x218: {  	p0 =	sne.s32 s14, $0x7E00  }
.Ltmp35:
0x219: {  	_ = 	snop;
	(pc) =	sbr.rel @p0 .LBB2_72-.Ltmp35, $4  }
0x21a: {  	_ = 	snop  }
0x21b: {  	s15 =	sshra.s32 s14, $0x2;
	s14 =	sadd.s32 $0x200, s14;
	v24 =	vadd.f32 v35, v24;
	v36 =	vmul.f32 v35, v35  }
0x21c: {  	v35 =	vld [tilespmem:s15+$0x70]  }
0x21d: {  	v34 =	vadd.f32 v36, v34  }
0x21e: {  	_ =	sdelay $0x2  }
0x21f: {  	v36 =	vmul.f32 v35, v35;
	_ =	sdelay $0x1  }
0x220: {  	v35 =	vadd.f32 v35, v24;
	v24 =	vadd.f32 v36, v34;
	v36 =	vld [tilespmem:s13+$0x2070]  }
0x221: {  	s14 =	simm.s32 $0x200;
	v34 =	vimm.f32 $0.0e+00  }
.LBB2_74:
0x222: {  	p0 =	sne.s32 s14, $0x7E00  }
.Ltmp36:
0x223: {  	_ = 	snop;
	(pc) =	sbr.rel @p0 .LBB2_74-.Ltmp36, $4  }
0x224: {  	_ = 	snop  }
0x225: {  	s13 =	sshra.s32 s14, $0x2;
	s14 =	sadd.s32 $0x200, s14;
	v26 =	vadd.f32 v36, v26;
	v37 =	vmul.f32 v36, v36  }
0x226: {  	v36 =	vld [tilespmem:s13+$0x2070]  }
0x227: {  	v34 =	vadd.f32 v37, v34  }
0x228: {  	_ =	sdelay $0x2  }
0x229: {  	v37 =	vmul.f32 v36, v36  }
0x22a: {  	s13 =	simm.s32 $0x0  }
0x22b: {  	v38 =	vadd.f32 v36, v26;
	v26 =	vadd.f32 v37, v34;
	v37 =	vld [tilespmem:s13+$0x4070]  }
0x22c: {  	s14 =	simm.s32 $0x200;
	v39 =	vimm.f32 $0.0e+00;
	v36 =	vimm.f32 $0.0e+00;
	v34 =	vimm.f32 $0.0e+00  }
.LBB2_76:
0x22d: {  	p0 =	sne.s32 s14, $0x7E00  }
.Ltmp37:
0x22e: {  	_ = 	snop;
	(pc) =	sbr.rel @p0 .LBB2_76-.Ltmp37, $4  }
0x22f: {  	_ = 	snop  }
0x230: {  	s15 =	sshra.s32 s14, $0x2;
	s14 =	sadd.s32 $0x200, s14;
	v34 =	vadd.f32 v37, v34;
	v44 =	vmul.f32 v37, v37  }
0x231: {  	v37 =	vld [tilespmem:s15+$0x4070]  }
0x232: {  	v39 =	vadd.f32 v44, v39  }
0x233: {  	_ =	sdelay $0x2  }
0x234: {  	v44 =	vmul.f32 v37, v37;
	_ =	sdelay $0x1  }
0x235: {  	v37 =	vadd.f32 v37, v34;
	v34 =	vadd.f32 v44, v39;
	v39 =	vld [tilespmem:s13+$0x6070]  }
0x236: {  	s14 =	simm.s32 $0x200;
	v44 =	vimm.f32 $0.0e+00  }
.LBB2_78:
0x237: {  	p0 =	sne.s32 s14, $0x7E00  }
.Ltmp38:
0x238: {  	_ = 	snop;
	(pc) =	sbr.rel @p0 .LBB2_78-.Ltmp38, $4  }
0x239: {  	_ = 	snop  }
0x23a: {  	s13 =	sshra.s32 s14, $0x2;
	s14 =	sadd.s32 $0x200, s14;
	v36 =	vadd.f32 v39, v36;
	v45 =	vmul.f32 v39, v39  }
0x23b: {  	v39 =	vld [tilespmem:s13+$0x6070]  }
0x23c: {  	v44 =	vadd.f32 v45, v44  }
0x23d: {  	s13 =	simm.s32 $0xFFFF0000  }
0x23e: {  	v46 =	vld [tilespmem:s13+$0x18070]  }
0x23f: {  	v49 =	vld [tilespmem:s13+$0x180F0];
	_ =	sdelay $0x1  }
0x240: {  	v36 =	vadd.f32 v39, v36;
	v45 =	vmul.f32 v39, v39;
	v39 =	vmul.f32 $1.562500000e-02, v35  }
0x241: {  	v37 =	vmul.f32 $1.562500000e-02, v37  }
0x242: {  	v36 =	vmul.f32 $1.562500000e-02, v36;
	v35 =	vadd.f32 v45, v44;
	v47 =	vsub.f32 v46, v39  }
0x243: {  	v38 =	vmul.f32 $1.562500000e-02, v38;
	s31 =	simm.s32 $0xFFFF0100;
	v48 =	vsub.f32 v46, v37;
	v51 =	vsub.f32 v49, v39  }
0x244: {  	v58 =	vimm.f32 $3.000000010e+38;
	v45 =	vld [tilespmem:s31+$0x18070];
	v56 =	vsub.f32 v49, v37;
	v61 =	vsub.f32 v46, v36  }
0x245: {  	v50 =	vsub.f32 v49, v36;
	v46 =	vsub.f32 v46, v38;
	v48 =	vand.u32 $0x7FFFFFFF, v48  }
0x246: {  	v44 =	vld [tilespmem:s31+$0x180F0];
	v47 =	vand.u32 $0x7FFFFFFF, v47;
	v60 =	vand.u32 $0x7FFFFFFF, v56;
	v56 =	vsub.f32 v49, v38  }
0x247: {  	v57 =	vand.u32 $0x7FFFFFFF, v61;
	v59 =	vmin.f32 v58, v48;
	v50 =	vand.u32 $0x7FFFFFFF, v50  }
0x248: {  	v47 =	vmin.f32 v58, v47;
	v61 =	vand.u32 $0x7FFFFFFF, v51;
	v62 =	vmin.f32 v58, v57  }
0x249: {  	v47 =	vmin.f32 v47, v61;
	v49 =	vsub.f32 v45, v39;
	v51 =	vsub.f32 v45, v36  }
0x24a: {  	v57 =	vsub.f32 v45, v37;
	v48 =	vmin.f32 v62, v50;
	v62 =	vand.u32 $0x7FFFFFFF, v46  }
0x24b: {  	s13 =	simm.s32 $0xFFFC0800;
	v50 =	vmin.f32 v59, v60;
	v46 =	vsub.f32 v44, v36;
	v58 =	vmin.f32 v58, v62  }
.LBB2_80:
0x24c: {  	s14 =	sshra.s32 s13, $0x2;
	p0 =	sne.s32 s13, $0xFFFFFC00;
	s13 =	sadd.s32 $0x400, s13;
	v59 =	vsub.f32 v44, v39;
	v60 =	vsub.f32 v44, v37;
	v56 =	vand.u32 $0x7FFFFFFF, v56  }
0x24d: {  	v51 =	vand.u32 $0x7FFFFFFF, v51;
	v61 =	vld [tilespmem:s14+$0x18070];
	v57 =	vand.u32 $0x7FFFFFFF, v57;
	v58 =	vmin.f32 v58, v56  }
0x24e: {  	v48 =	vmin.f32 v48, v51;
	v46 =	vand.u32 $0x7FFFFFFF, v46;
	v62 =	vld [tilespmem:s14+$0x180F0];
	v50 =	vmin.f32 v50, v57  }
.Ltmp39:
0x24f: {  	v49 =	vand.u32 $0x7FFFFFFF, v49;
	v51 =	vand.u32 $0x7FFFFFFF, v60;
	v48 =	vmin.f32 v48, v46;
	(pc) =	sbr.rel @p0 .LBB2_80-.Ltmp39, $4  }
0x250: {  	v46 =	vmin.f32 v47, v49;
	v57 =	vsub.f32 v45, v38;
	v47 =	vand.u32 $0x7FFFFFFF, v59  }
0x251: {  	v56 =	vsub.f32 v44, v38;
	v47 =	vmin.f32 v46, v47;
	v50 =	vmin.f32 v50, v51  }
0x252: {  	v59 =	vand.u32 $0x7FFFFFFF, v57;
	v49 =	vsub.f32 v61, v39;
	v51 =	vsub.f32 v61, v36;
	v45 =	vmovc v61  }
0x253: {  	v58 =	vmin.f32 v58, v59;
	v57 =	vsub.f32 v45, v37;
	v46 =	vsub.f32 v62, v36;
	v44 =	vmovc v62  }
0x254: {  	v60 =	vld [tilespmem:$0x1FF90]  }
0x255: {  	v59 =	vld [tilespmem:$0x1FF80];
	_ =	sdelay $0x3  }
0x256: {  	v6 =	vmul.f32 v6, v6;
	v60 =	vmul.f32 v60, v60  }
0x257: {  	v7 =	vmul.f32 v7, v7;
	v59 =	vmul.f32 v59, v59  }
0x258: {  	v6 =	vsub.f32 v60, v6;
	v60 =	vld [tilespmem:$0x1FFF0]  }
0x259: {  	v7 =	vsub.f32 v59, v7;
	_ =	sdelay $0x1  }
0x25a: {  	v7 =	vmul.f32 $6.400000000e+01, v7;
	_ =	sdelay $0x1  }
0x25b: {  	v7 =	vadd.f32 v7, v60;
	v60 =	vld [tilespmem:$0x1FFE0]  }
0x25c: {  	v61 =	vld [tilespmem:$0x1FFA0];
	_ =	sdelay $0x1  }
0x25d: {  	v62 =	vld [tilespmem:$0x1FFB0];
	v6 =	vmul.f32 $6.400000000e+01, v6;
	_ =	sdelay $0x1  }
0x25e: {  	v6 =	vadd.f32 v6, v60;
	v60 =	vld [tilespmem:$0x1FF00]  }
0x25f: {  	v5 =	vmul.f32 v5, v5;
	v59 =	vmul.f32 v61, v61;
	_ =	sdelay $0x1  }
0x260: {  	v4 =	vmul.f32 v4, v4;
	v5 =	vsub.f32 v59, v5;
	v59 =	vmul.f32 v62, v62;
	_ =	sdelay $0x1  }
0x261: {  	v19 =	vmul.f32 v19, v19;
	v4 =	vsub.f32 v59, v4;
	v59 =	vmul.f32 v60, v60;
	_ =	sdelay $0x1  }
0x262: {  	v62 =	vsub.f32 v59, v19;
	v59 =	vld [tilespmem:$0x1FF10];
	_ =	sdelay $0x1  }
0x263: {  	v61 =	vld [tilespmem:$0x1FFD0]  }
0x264: {  	v60 =	vld [tilespmem:$0x1FFC0]  }
0x265: {  	v18 =	vmul.f32 v18, v18  }
0x266: {  	v5 =	vmul.f32 $6.400000000e+01, v5;
	v19 =	vmul.f32 v59, v59  }
0x267: {  	v4 =	vmul.f32 $6.400000000e+01, v4;
	v59 =	vld [tilespmem:$0x1FF20]  }
0x268: {  	v5 =	vadd.f32 v5, v61;
	v61 =	vmul.f32 $6.400000000e+01, v62;
	v62 =	vsub.f32 v19, v18  }
0x269: {  	v6 =	vadd.f32 v6, v7;
	v4 =	vadd.f32 v4, v60;
	v60 =	vld [tilespmem:$0x1FF70]  }
0x26a: {  	v7 =	vmul.f32 $6.400000000e+01, v62;
	v62 =	vld [tilespmem:$0x1FF30]  }
0x26b: {  	v5 =	vadd.f32 v5, v6;
	v19 =	vld [tilespmem:$0x1FF60]  }
0x26c: {  	v17 =	vmul.f32 v17, v17;
	v18 =	vmul.f32 v59, v59;
	v59 =	vld [tilespmem:$0x1FE80]  }
0x26d: {  	v4 =	vadd.f32 v4, v5  }
0x26e: {  	v16 =	vmul.f32 v16, v16;
	v5 =	vadd.f32 v61, v60;
	v61 =	vsub.f32 v18, v17  }
0x26f: {  	v60 =	vmul.f32 v31, v31;
	v31 =	vld [tilespmem:$0x1FE90];
	v17 =	vmul.f32 v62, v62  }
0x270: {  	v4 =	vadd.f32 v5, v4;
	v6 =	vmul.f32 $6.400000000e+01, v61;
	v61 =	vld [tilespmem:$0x1FF50]  }
0x271: {  	v5 =	vadd.f32 v7, v19;
	v7 =	vsub.f32 v17, v16;
	v16 =	vmul.f32 v59, v59;
	_ =	sdelay $0x1  }
0x272: {  	v62 =	vsub.f32 v16, v60  }
0x273: {  	v4 =	vadd.f32 v5, v4;
	v59 =	vmul.f32 v30, v30;
	v60 =	vld [tilespmem:$0x1FF40]  }
0x274: {  	v16 =	vmul.f32 v31, v31;
	v5 =	vadd.f32 v6, v61;
	v6 =	vmul.f32 $6.400000000e+01, v62;
	v62 =	vld [tilespmem:$0x1FEA0];
	_ =	sdelay $0x1  }
0x275: {  	v61 =	vsub.f32 v16, v59;
	v59 =	vld [tilespmem:$0x1FEB0]  }
0x276: {  	v29 =	vmul.f32 v29, v29;
	v30 =	vld [tilespmem:$0x1FEF0];
	v7 =	vmul.f32 $6.400000000e+01, v7  }
0x277: {  	v40 =	vmul.f32 v40, v40;
	v55 =	vmul.f32 v55, v55;
	v4 =	vadd.f32 v5, v4  }
0x278: {  	v5 =	vadd.f32 v7, v60;
	v60 =	vmul.f32 v28, v28;
	v28 =	vld [tilespmem:$0x1FE00];
	v16 =	vmul.f32 v62, v62  }
0x279: {  	v13 =	vmul.f32 v13, v13;
	v7 =	vmul.f32 $6.400000000e+01, v61;
	v61 =	vld [tilespmem:$0x1FEE0]  }
0x27a: {  	v3 =	vmul.f32 v3, v3;
	v31 =	vsub.f32 v16, v29;
	v16 =	vmul.f32 v59, v59  }
0x27b: {  	v2 =	vmul.f32 v2, v2;
	v4 =	vadd.f32 v5, v4;
	v5 =	vadd.f32 v6, v30;
	v30 =	vld [tilespmem:$0x1FED0]  }
0x27c: {  	v1 =	vmul.f32 v1, v1;
	v29 =	vmul.f32 v43, v43;
	v43 =	vld [tilespmem:$0x1FE10];
	v62 =	vsub.f32 v16, v60  }
0x27d: {  	v3 =	vsub.f32 v13, v3;
	v4 =	vadd.f32 v5, v4;
	v16 =	vmul.f32 v28, v28;
	v60 =	vld [tilespmem:$0x1FEC0]  }
0x27e: {  	v5 =	vadd.f32 v7, v61;
	v6 =	vmul.f32 $6.400000000e+01, v31;
	v7 =	vmul.f32 $6.400000000e+01, v62;
	v62 =	vld [tilespmem:$0x1FE20]  }
0x27f: {  	v0 =	vmul.f32 v0, v0;
	v3 =	vmul.f32 $6.400000000e+01, v3;
	v31 =	vsub.f32 v16, v29  }
0x280: {  	v59 =	vmul.f32 v42, v42;
	v4 =	vadd.f32 v5, v4;
	v5 =	vadd.f32 v6, v30;
	v29 =	vld [tilespmem:$0x1FE70]  }
0x281: {  	v16 =	vmul.f32 v43, v43;
	v6 =	vmul.f32 $6.400000000e+01, v31;
	v31 =	vld [tilespmem:$0x1FE30]  }
0x282: {  	v28 =	vmul.f32 v41, v41;
	v41 =	vld [tilespmem:$0x1FE60];
	v4 =	vadd.f32 v5, v4;
	v5 =	vadd.f32 v7, v60  }
0x283: {  	v18 =	vmul.f32 v33, v33;
	v43 =	vld [tilespmem:$0x1FD80];
	v61 =	vsub.f32 v16, v59;
	v16 =	vmul.f32 v62, v62  }
0x284: {  	v19 =	vmul.f32 v23, v23;
	v33 =	vmul.f32 v27, v27;
	v59 =	vld [tilespmem:$0x1FE50];
	v4 =	vadd.f32 v5, v4  }
0x285: {  	v5 =	vadd.f32 v6, v29;
	v7 =	vmul.f32 $6.400000000e+01, v61;
	v61 =	vld [tilespmem:$0x1FD90];
	v30 =	vsub.f32 v16, v28  }
0x286: {  	v17 =	vand.u32 $0x7FFFFFFF, v51;
	v51 =	vmul.f32 v39, v39;
	v16 =	vmul.f32 v31, v31  }
0x287: {  	v4 =	vadd.f32 v5, v4;
	v5 =	vadd.f32 v7, v41;
	v28 =	vld [tilespmem:$0x1FE40];
	v6 =	vmul.f32 $6.400000000e+01, v30  }
0x288: {  	v62 =	vmul.f32 v54, v54;
	v42 =	vsub.f32 v16, v40;
	v16 =	vmul.f32 v43, v43  }
0x289: {  	v31 =	vmul.f32 v53, v53;
	v4 =	vadd.f32 v5, v4;
	v5 =	vadd.f32 v6, v59  }
0x28a: {  	v30 =	vld [tilespmem:$0x1FDA0];
	v60 =	vsub.f32 v16, v55;
	v7 =	vmul.f32 $6.400000000e+01, v42;
	v16 =	vmul.f32 v61, v61  }
0x28b: {  	v40 =	vld [tilespmem:$0x1FDF0];
	v59 =	vmul.f32 v12, v12;
	v61 =	vmul.f32 v11, v11;
	v4 =	vadd.f32 v5, v4  }
0x28c: {  	v42 =	vld [tilespmem:$0x1FDB0];
	v12 =	vmul.f32 v9, v9;
	v5 =	vadd.f32 v7, v28;
	v29 =	vsub.f32 v16, v62  }
0x28d: {  	v43 =	vmul.f32 v52, v52;
	v2 =	vsub.f32 v59, v2;
	v1 =	vsub.f32 v61, v1  }
0x28e: {  	v52 =	vld [tilespmem:$0x1FDE0];
	v6 =	vmul.f32 $6.400000000e+01, v60;
	v0 =	vsub.f32 v12, v0;
	v28 =	vsub.f32 v18, v19  }
0x28f: {  	v13 =	vld [tilespmem:$0x1FD60];
	v16 =	vmul.f32 v30, v30;
	v30 =	vmul.f32 v32, v32;
	v32 =	vsub.f32 v44, v39  }
0x290: {  	v54 =	vld [tilespmem:$0x1FDD0];
	v11 =	vand.u32 $0x7FFFFFFF, v56;
	v4 =	vadd.f32 v5, v4;
	v5 =	vadd.f32 v6, v40  }
0x291: {  	v23 =	vld [tilespmem:$0x1FD50];
	v7 =	vmul.f32 $6.400000000e+01, v29;
	v41 =	vsub.f32 v16, v31;
	v16 =	vmul.f32 v42, v42  }
0x292: {  	v60 =	vld [tilespmem:$0x1FDC0];
	v2 =	vmul.f32 $6.400000000e+01, v2;
	v1 =	vmul.f32 $6.400000000e+01, v1;
	v4 =	vadd.f32 v5, v4  }
0x293: {  	v5 =	vadd.f32 v7, v52;
	v6 =	vmul.f32 $6.400000000e+01, v41;
	v53 =	vsub.f32 v16, v43  }
0x294: {  	v62 =	vld [tilespmem:$0x1FD70];
	v0 =	vmul.f32 $6.400000000e+01, v0;
	v29 =	vand.u32 $0x7FFFFFFF, v49;
	v2 =	vadd.f32 v2, v13  }
0x295: {  	v4 =	vadd.f32 v5, v4;
	v5 =	vadd.f32 v6, v54;
	v55 =	vmul.f32 $6.400000000e+01, v53  }
0x296: {  	v40 =	vmul.f32 v21, v21;
	v1 =	vadd.f32 v1, v23;
	v0 =	vadd.f32 v0, v63  }
0x297: {  	v31 =	vmul.f32 v22, v22;
	v4 =	vadd.f32 v5, v4;
	v5 =	vadd.f32 v55, v60  }
0x298: {  	v7 =	vmin.f32 v47, v29;
	v42 =	vsub.f32 v33, v40;
	v52 =	vsub.f32 v44, v37  }
0x299: {  	v47 =	vmul.f32 v20, v20;
	v3 =	vadd.f32 v3, v62;
	v4 =	vadd.f32 v5, v4  }
0x29a: {  	v16 =	vand.u32 $0x7FFFFFFF, v57;
	v9 =	vsub.f32 v30, v31;
	v41 =	vsub.f32 v45, v38  }
0x29b: {  	v45 =	vmul.f32 v25, v25;
	v57 =	vand.u32 $0x7FFFFFFF, v46;
	v3 =	vadd.f32 v3, v4  }
0x29c: {  	v6 =	vmin.f32 v48, v17;
	v43 =	vmul.f32 $6.400000000e+01, v9;
	v48 =	vsub.f32 v44, v38  }
0x29d: {  	v4 =	vmin.f32 v50, v16;
	v50 =	vsub.f32 v45, v47;
	v2 =	vadd.f32 v2, v3  }
0x29e: {  	v49 =	vadd.f32 v43, v10;
	v55 =	vmul.f32 v38, v38;
	v3 =	vmul.f32 $6.400000000e+01, v28  }
0x29f: {  	v5 =	vmin.f32 v58, v11;
	v54 =	vmul.f32 $6.400000000e+01, v50;
	v1 =	vadd.f32 v1, v2  }
0x2a0: {  	v58 =	vmul.f32 v37, v37;
	v2 =	vand.u32 $0x7FFFFFFF, v32;
	v3 =	vadd.f32 v3, v8  }
0x2a1: {  	v56 =	vadd.f32 v54, v15;
	v2 =	vmin.f32 v7, v2;
	v0 =	vadd.f32 v0, v1  }
0x2a2: {  	v7 =	vmul.f32 $6.400000000e+01, v42;
	v1 =	vand.u32 $0x7FFFFFFF, v41;
	v2 =	vmul.f32 v2, v2  }
0x2a3: {  	v1 =	vmin.f32 v5, v1;
	v0 =	vadd.f32 v3, v0;
	v3 =	vand.u32 $0x7FFFFFFF, v48  }
0x2a4: {  	v53 =	vadd.f32 v7, v14;
	v2 =	vsub.f32 v2, v51;
	v1 =	vmin.f32 v1, v3  }
0x2a5: {  	v3 =	vand.u32 $0x7FFFFFFF, v52;
	v0 =	vadd.f32 v49, v0;
	v1 =	vmul.f32 v1, v1  }
0x2a6: {  	v5 =	vmin.f32 v6, v57;
	v3 =	vmin.f32 v4, v3;
	v2 =	vmul.f32 $6.400000000e+01, v2  }
0x2a7: {  	v3 =	vmul.f32 v3, v3;
	v0 =	vadd.f32 v53, v0;
	v1 =	vsub.f32 v1, v55  }
0x2a8: {  	v60 =	vmul.f32 v36, v36;
	v59 =	vmul.f32 v5, v5;
	v2 =	vadd.f32 v2, v24  }
0x2a9: {  	v3 =	vsub.f32 v3, v58;
	v0 =	vadd.f32 v56, v0;
	v1 =	vmul.f32 $6.400000000e+01, v1  }
0x2aa: {  	v61 =	vsub.f32 v59, v60  }
0x2ab: {  	v3 =	vmul.f32 $6.400000000e+01, v3;
	v0 =	vadd.f32 v2, v0;
	v1 =	vadd.f32 v1, v26;
	_ =	sdelay $0x1  }
0x2ac: {  	v2 =	vmul.f32 $6.400000000e+01, v61;
	v62 =	vadd.f32 v3, v34;
	v0 =	vadd.f32 v1, v0;
	_ =	sdelay $0x1  }
0x2ad: {  	v63 =	vadd.f32 v2, v35;
	v0 =	vadd.f32 v62, v0;
	_ =	sdelay $0x1  }
0x2ae: {  	s12 =	sadd.s32 $0x1, s12;
	v0 =	vadd.f32 v63, v0  }
0x2af: {  	p0 =	sne.s32 s12, s6  }
.Ltmp40:
0x2b0: {  	[tilespmem:$0x18000] =	vst v0;
	(pc) =	sbr.rel @p0 .LBB2_1-.Ltmp40, $4  }
0x2b1: {  	[hbm4b:s5+s2] =	stream.linear.scatter [tilespmem:s11], [sflag:$0x1], $0x80, $0x38;
	[tilespmem:$0x18080] =	vst v63  }
0x2b2: {  	_ =	swait.ge [sflag:s9], $0x80  }
0x2b3: {  	[sflag:s9] =	ssyncset.done $0x0  }
0x2b4: {  	[sflag:s9] =	ssyncadd.s32 $0xFFFFFF80  }
0x2b5: {  	_ =	sfence.sel $0x180000  }
0x2b6: {  	[bflag:$0x0] =	sbarrier.arrive $0xFFFF  }
0x2b7: {  	p0 =	sne.s32 s1, $0x0;
	_ =	strace $0x90000047  }
0x2b8: {  	s0 =	sadd.s32 @!p0 $0x100000, s0;
	[bflag:$0x2] =	sbarrier.arrive $0xFFFF  }
0x2b9: {  	[sflag:s0] =	ssyncadd.tile.s32 @!p0 $0x1;
	_ =	shalt  }
.Lfunc_end2:
_tile_overlayer_lowered:
.L_overlay_start_2:
0x2ba: {  	(tag) =	ssettag $0x2  }
0x2bb: {  	s0 =	rddreg [dreg:$0x0];
	s2 =	stileid.u32  }
0x2bc: {  	s1 =	rddreg [dreg:$0x1];
	p0 =	sne.s32 s2, $0x0  }
0x2bd: {  	s3 =	rddreg [dreg:$0x2];
	[bflag:$0x3] =	sbarrier.arrive $0xFFFF;
	s2 =	simm.s32 @!p0 $0x1C01  }
0x2be: {  	[timem:s3], [sflag:s2] =	dma.local @!p0 [hbm:s0], s1  }
0x2bf: {  	s0 =	simm.s32 @!p0 $0x1  }
0x2c0: {  	_ =	swait.ge @!p0 [sflag:s0], s1  }
0x2c1: {  	s1 =	ssub.s32 @!p0 $0x0, s1;
	[sflag:s0] =	ssyncset.done @!p0 $0x0  }
0x2c2: {  	[sflag:s0] =	ssyncadd.s32 @!p0 s1  }
0x2c3: {  	[bflag:$0x3] =	sbarrier.arrive $0xFFFF  }
0x2c4: {  	_ =	shalt  }

</sc_bundles>
